<compile_context>
chip_gen: v7x
topology: tpu7x:2x2x1
jax: 0.10.2.dev20260603
libtpu: 0.0.44.dev20260713+nightly
codegen_flags: <defaults>
</compile_context>

<pallas_src>
import functools

import jax
import jax.numpy as jnp
from jax import lax
from jax.experimental import pallas as pl
from jax.experimental.pallas import tpu as pltpu
from jax.experimental.pallas import tpu_sc as plsc

N_ATOMS = 10000
BATCH = 8
ROW = 16
NC, NS = 2, 16
GRP = 128
G = 160
EPW = G * GRP
E_PAD = NS * EPW
N_PAD = 10112
STRIPE = N_PAD // NS
NBUF = 8
N_ITER = 2


def _mp_sc(h_hbm, src_hbm, dst_hbm, zeros_hbm, tv_hbm, ix_hbm, out_hbm, *scratch):
    src_v, dst_v = scratch[0], scratch[1]
    rows = scratch[2:2 + NBUF]
    acc_v, tbl_v, tv_v, ix_v = scratch[2 + NBUF:6 + NBUF]
    tbl_s, acc_s = scratch[6 + NBUF], scratch[7 + NBUF]
    sems = scratch[8 + NBUF:]
    c = lax.axis_index("c")
    s = lax.axis_index("s")
    stripe = pl.ds(s * STRIPE, STRIPE)
    pltpu.sync_copy(src_hbm.at[s], src_v)
    pltpu.sync_copy(dst_hbm.at[s], dst_v)
    pltpu.sync_copy(tv_hbm, tv_v)
    pltpu.sync_copy(ix_hbm, ix_v)
    pltpu.sync_copy(h_hbm.at[c, stripe], tbl_v)
    pltpu.sync_copy(tbl_v, tbl_s.at[stripe])

    def gather(g, b):
        return pltpu.make_async_copy(tbl_s.at[src_v.at[g]], rows[b], sems[b])

    for t in range(N_ITER):
        pltpu.sync_copy(zeros_hbm.at[stripe], acc_v)
        pltpu.sync_copy(acc_v, acc_s.at[stripe])
        plsc.subcore_barrier()

        for b in range(NBUF):
            gather(b, b).start()

        def body(i, _):
            for b in range(NBUF):
                g = i * NBUF + b
                gather(g, b).wait()
                pltpu.sync_copy(rows[b], acc_s.at[dst_v.at[g]], add=True)

                @pl.when(g < G - NBUF)
                def _fire():
                    gather(g + NBUF, b).start()
            return _

        lax.fori_loop(0, G // NBUF, body, None)
        plsc.subcore_barrier()

        pltpu.sync_copy(acc_s.at[stripe], acc_v)
        pltpu.sync_copy(tbl_s.at[stripe], tbl_v)
        tv0, tv1, tv2, tv3 = tv_v[0], tv_v[1], tv_v[2], tv_v[3]
        bvec = tv_v[4]

        _dn = lax.GatherDimensionNumbers(
            offset_dims=(), collapsed_slice_dims=(0,), start_index_map=(0,))

        def take16(x, idx):
            return lax.gather(x, idx.reshape(16, 1), _dn, slice_sizes=(1,),
                              mode=lax.GatherScatterMode.PROMISE_IN_BOUNDS)

        b0, b1, b2, b3 = ix_v[0], ix_v[1], ix_v[2], ix_v[3]

        def upd(r, _):
            S = acc_v[r]
            gv0 = take16(S, b0)
            gv1 = take16(S, b1)
            gv2 = take16(S, b2)
            gv3 = take16(S, b3)
            q = 1.0 / jnp.maximum(gv3, 1.0)
            mixed = gv0 * tv0 + gv1 * tv1 + gv2 * tv2 + gv3 * tv3
            tbl_v[r] = tbl_v[r] + q * mixed + bvec
            return _

        lax.fori_loop(0, STRIPE, upd, None)
        if t < N_ITER - 1:
            pltpu.sync_copy(tbl_v, tbl_s.at[stripe])
            plsc.subcore_barrier()

    pltpu.sync_copy(tbl_v, out_hbm.at[c, stripe])


@functools.cache
def _build_mp():
    return pl.kernel(
        _mp_sc,
        mesh=plsc.VectorSubcoreMesh(core_axis_name="c", subcore_axis_name="s"),
        compiler_params=pltpu.CompilerParams(use_tc_tiling_on_sc=False),
        out_type=jax.ShapeDtypeStruct((NC, N_PAD, ROW), jnp.float32),
        scratch_types=(
            [pltpu.VMEM((G, GRP), jnp.int32),
             pltpu.VMEM((G, GRP), jnp.int32)]
            + [pltpu.VMEM((GRP, ROW), jnp.float32) for _ in range(NBUF)]
            + [pltpu.VMEM((STRIPE, ROW), jnp.float32),
               pltpu.VMEM((STRIPE, ROW), jnp.float32),
               pltpu.VMEM((8, 16), jnp.float32),
               pltpu.VMEM((8, 16), jnp.int32),
               pltpu.VMEM_SHARED((N_PAD, ROW), jnp.float32),
               pltpu.VMEM_SHARED((N_PAD, ROW), jnp.float32)]
            + [pltpu.SemaphoreType.DMA for _ in range(NBUF)]
        ),
    )


def kernel(positions, bonds, W_msg, b_msg, W_upd, b_upd):
    src = jnp.concatenate([bonds[:, 0], bonds[:, 1]])
    dst = jnp.concatenate([bonds[:, 1], bonds[:, 0]])
    pad = jnp.full((E_PAD - src.shape[0],), N_ATOMS, jnp.int32)
    src = jnp.concatenate([src, pad]).reshape(NS, G, GRP)
    dst = jnp.concatenate([dst, pad]).reshape(NS, G, GRP)

    M = W_upd @ W_msg
    v = W_upd @ b_msg
    t4 = jnp.zeros((4, 4), jnp.float32).at[:3, :3].set(M.T).at[3, :3].set(v)
    tv = jnp.zeros((8, 16), jnp.float32)
    tv = tv.at[:4, :].set(jnp.tile(t4, (1, 4)))
    tv = tv.at[4, :].set(jnp.tile(
        jnp.concatenate([b_upd, jnp.zeros((1,), jnp.float32)]), 4))

    hp = jnp.concatenate(
        [positions.transpose(1, 0, 2),
         jnp.ones((N_ATOMS, BATCH, 1), jnp.float32)], axis=2
    ).reshape(N_ATOMS, BATCH, 4)
    h = jnp.zeros((NC, N_PAD, ROW), jnp.float32)
    h = h.at[0, :N_ATOMS].set(hp[:, :4].reshape(N_ATOMS, ROW))
    h = h.at[1, :N_ATOMS].set(hp[:, 4:].reshape(N_ATOMS, ROW))

    zeros = jnp.zeros((N_PAD, ROW), jnp.float32)
    lane = jnp.arange(16, dtype=jnp.int32)
    ix = jnp.zeros((8, 16), jnp.int32)
    for cc in range(4):
        ix = ix.at[cc].set((lane // 4) * 4 + cc)
    out = _build_mp()(h, src, dst, zeros, tv, ix)

    o = out[:, :N_ATOMS].reshape(NC, N_ATOMS, 4, 4)[:, :, :, :3]
    return o.transpose(0, 2, 1, 3).reshape(BATCH, N_ATOMS, 3)

# --- scband reference (transcript-rebuilt; emitter-appended) ---
"""Pipeline reference for scband-graph-message-passing-62989990363310 (READ-ONLY COPY).

The authoritative reference and input builder live on the scoring server;
editing this copy changes nothing except your own understanding.
"""

import jax, jax.numpy as jnp
import numpy as np

BATCH = 8
N_ATOMS = 10000
N_BONDS = 160000
HIDDEN = 128
N_ITERS = 2


def setup_inputs(seed: int = 0) -> dict:
    key = jax.random.key(seed)
    k1, k2, k3, k4, k5, k6 = jax.random.split(key, 6)
    positions = jax.random.normal(k1, (BATCH, N_ATOMS, 3), dtype=jnp.float32)
    bonds = jax.random.randint(k2, (N_BONDS, 2), 0, N_ATOMS, dtype=jnp.int32)
    # Learned params (nn.Linear(3, 128) and nn.Linear(128, 3))
    W_msg = jax.random.uniform(k3, (HIDDEN, 3), dtype=jnp.float32, minval=-1.0, maxval=1.0) / np.sqrt(3.0)
    b_msg = jax.random.uniform(k4, (HIDDEN,), dtype=jnp.float32, minval=-1.0, maxval=1.0) / np.sqrt(3.0)
    W_upd = jax.random.uniform(k5, (3, HIDDEN), dtype=jnp.float32, minval=-1.0, maxval=1.0) / np.sqrt(float(HIDDEN))
    b_upd = jax.random.uniform(k6, (3,), dtype=jnp.float32, minval=-1.0, maxval=1.0) / np.sqrt(float(HIDDEN))
    return {"positions": positions, "bonds": bonds, "W_msg": W_msg, "b_msg": b_msg, "W_upd": W_upd, "b_upd": b_upd}


def reference(positions, bonds, W_msg, b_msg, W_upd, b_upd):
    # Undirected bonds -> directed edges in both directions (adj_list[i].append(j); adj_list[j].append(i))
    src = jnp.concatenate([bonds[:, 0], bonds[:, 1]])
    dst = jnp.concatenate([bonds[:, 1], bonds[:, 0]])
    # In-degree per atom (constant across iterations)
    count = jnp.zeros((N_ATOMS,), jnp.float32).at[dst].add(1.0)
    denom = jnp.maximum(count, 1.0)  # atoms with no neighbors keep zero msgs
    h = positions
    for _ in range(N_ITERS):
        neigh = h[:, src, :]                              # gather: [B, 2E, 3]
        msg = neigh @ W_msg.T + b_msg                     # per-edge message: [B, 2E, 128]
        agg = jnp.zeros((BATCH, N_ATOMS, HIDDEN), jnp.float32).at[:, dst, :].add(msg)  # scatter-add
        msgs = agg / denom[None, :, None]                 # mean over incoming neighbors
        h = h + msgs @ W_upd.T + b_upd
    return h

if __name__ == "__main__":
    import jax
    _d = setup_inputs()
    print(jax.jit(kernel)(*tuple(_d.values())))

</pallas_src>

<mosaic_0001>
#map = affine_map<(d0, d1) -> (0, 0, 0)>
#map1 = affine_map<(d0, d1) -> (0, 0)>
module attributes {stable_mosaic.version = 14 : i64} {
  func.func @_mp_sc(%arg0: i32, %arg1: i32, %arg2: memref<2x10112x16xf32, #tpu.memory_space<hbm>>, %arg3: memref<16x160x128xi32, #tpu.memory_space<hbm>>, %arg4: memref<16x160x128xi32, #tpu.memory_space<hbm>>, %arg5: memref<10112x16xf32, #tpu.memory_space<hbm>>, %arg6: memref<8x16xf32, #tpu.memory_space<hbm>>, %arg7: memref<8x16xi32, #tpu.memory_space<hbm>>, %arg8: memref<2x10112x16xf32, #tpu.memory_space<hbm>>, %arg9: memref<160x128xi32, #tpu.memory_space<vmem>>, %arg10: memref<160x128xi32, #tpu.memory_space<vmem>>, %arg11: memref<128x16xf32, #tpu.memory_space<vmem>>, %arg12: memref<128x16xf32, #tpu.memory_space<vmem>>, %arg13: memref<128x16xf32, #tpu.memory_space<vmem>>, %arg14: memref<128x16xf32, #tpu.memory_space<vmem>>, %arg15: memref<128x16xf32, #tpu.memory_space<vmem>>, %arg16: memref<128x16xf32, #tpu.memory_space<vmem>>, %arg17: memref<128x16xf32, #tpu.memory_space<vmem>>, %arg18: memref<128x16xf32, #tpu.memory_space<vmem>>, %arg19: memref<632x16xf32, #tpu.memory_space<vmem>>, %arg20: memref<632x16xf32, #tpu.memory_space<vmem>>, %arg21: memref<8x16xf32, #tpu.memory_space<vmem>>, %arg22: memref<8x16xi32, #tpu.memory_space<vmem>>, %arg23: memref<10112x16xf32, #tpu.memory_space<vmem_shared>>, %arg24: memref<10112x16xf32, #tpu.memory_space<vmem_shared>>, %arg25: memref<!tpu.dma_semaphore, #tpu.memory_space<semaphore_mem>>, %arg26: memref<!tpu.dma_semaphore, #tpu.memory_space<semaphore_mem>>, %arg27: memref<!tpu.dma_semaphore, #tpu.memory_space<semaphore_mem>>, %arg28: memref<!tpu.dma_semaphore, #tpu.memory_space<semaphore_mem>>, %arg29: memref<!tpu.dma_semaphore, #tpu.memory_space<semaphore_mem>>, %arg30: memref<!tpu.dma_semaphore, #tpu.memory_space<semaphore_mem>>, %arg31: memref<!tpu.dma_semaphore, #tpu.memory_space<semaphore_mem>>, %arg32: memref<!tpu.dma_semaphore, #tpu.memory_space<semaphore_mem>>) attributes {dimension_semantics = [#tpu.dimension_semantics<core_parallel>, #tpu.dimension_semantics<subcore_parallel>], iteration_bounds = array<i64: 2, 16>, scalar_prefetch = 0 : i64, scratch_operands = 24 : i64, tpu.core_type = #tpu.core_type<sc_vector_subcore>, window_params = [{transform_indices = #map}, {transform_indices = #map}, {transform_indices = #map}, {transform_indices = #map1}, {transform_indices = #map1}, {transform_indices = #map1}, {transform_indices = #map}]} {
    %mul3A = arith.constant 632 : i32
    %mul3A_0 = arith.muli %arg1, %mul3A : i32
    "tpu.region"() ({
      %run_scoped3A = tpu.sem_alloc : memref<!tpu.dma_semaphore, #tpu.memory_space<semaphore_mem>>
      %dma_start3A_224 = arith.constant 0 : i32
      %dma_start3A_225 = arith.constant 0 : i32
      %dma_start3A_226 = tpu.memref_slice %arg3[%arg1, %dma_start3A_224, %dma_start3A_225] : memref<16x160x128xi32, #tpu.memory_space<hbm>> -> memref<1x160x128xi32, #tpu.memory_space<hbm>>
      %dma_start3A_227 = tpu.memref_squeeze %dma_start3A_226 : memref<1x160x128xi32, #tpu.memory_space<hbm>> -> memref<160x128xi32, #tpu.memory_space<hbm>>
      %dma_start3A_228 = arith.constant 0 : i32
      %dma_start3A_229 = arith.constant 0 : i32
      %dma_start3A_230 = tpu.memref_slice %arg3[%arg1, %dma_start3A_228, %dma_start3A_229] : memref<16x160x128xi32, #tpu.memory_space<hbm>> -> memref<1x160x128xi32, #tpu.memory_space<hbm>>
      %dma_start3A_231 = tpu.memref_squeeze %dma_start3A_230 : memref<1x160x128xi32, #tpu.memory_space<hbm>> -> memref<160x128xi32, #tpu.memory_space<hbm>>
      tpu.enqueue_dma source(%dma_start3A_231 : memref<160x128xi32, #tpu.memory_space<hbm>>) target(%arg9 : memref<160x128xi32, #tpu.memory_space<vmem>>) target_semaphore(%run_scoped3A : memref<!tpu.dma_semaphore, #tpu.memory_space<semaphore_mem>>)
      %dma_wait3A = arith.constant 0 : i32
      %dma_wait3A_232 = arith.constant 0 : i32
      %dma_wait3A_233 = tpu.memref_slice %arg3[%arg1, %dma_wait3A, %dma_wait3A_232] : memref<16x160x128xi32, #tpu.memory_space<hbm>> -> memref<1x160x128xi32, #tpu.memory_space<hbm>>
      %dma_wait3A_234 = tpu.memref_squeeze %dma_wait3A_233 : memref<1x160x128xi32, #tpu.memory_space<hbm>> -> memref<160x128xi32, #tpu.memory_space<hbm>>
      %dma_wait3A_235 = arith.constant 0 : i32
      %dma_wait3A_236 = arith.constant 0 : i32
      %dma_wait3A_237 = tpu.memref_slice %arg3[%arg1, %dma_wait3A_235, %dma_wait3A_236] : memref<16x160x128xi32, #tpu.memory_space<hbm>> -> memref<1x160x128xi32, #tpu.memory_space<hbm>>
      %dma_wait3A_238 = tpu.memref_squeeze %dma_wait3A_237 : memref<1x160x128xi32, #tpu.memory_space<hbm>> -> memref<160x128xi32, #tpu.memory_space<hbm>>
      tpu.wait_dma2 semaphore(%run_scoped3A : memref<!tpu.dma_semaphore, #tpu.memory_space<semaphore_mem>>) src(%dma_wait3A_238 : memref<160x128xi32, #tpu.memory_space<hbm>>) dst(%arg9 : memref<160x128xi32, #tpu.memory_space<vmem>>)
      tpu.yield
    }) : () -> ()
    "tpu.region"() ({
      %run_scoped3A = tpu.sem_alloc : memref<!tpu.dma_semaphore, #tpu.memory_space<semaphore_mem>>
      %dma_start3A_224 = arith.constant 0 : i32
      %dma_start3A_225 = arith.constant 0 : i32
      %dma_start3A_226 = tpu.memref_slice %arg4[%arg1, %dma_start3A_224, %dma_start3A_225] : memref<16x160x128xi32, #tpu.memory_space<hbm>> -> memref<1x160x128xi32, #tpu.memory_space<hbm>>
      %dma_start3A_227 = tpu.memref_squeeze %dma_start3A_226 : memref<1x160x128xi32, #tpu.memory_space<hbm>> -> memref<160x128xi32, #tpu.memory_space<hbm>>
      %dma_start3A_228 = arith.constant 0 : i32
      %dma_start3A_229 = arith.constant 0 : i32
      %dma_start3A_230 = tpu.memref_slice %arg4[%arg1, %dma_start3A_228, %dma_start3A_229] : memref<16x160x128xi32, #tpu.memory_space<hbm>> -> memref<1x160x128xi32, #tpu.memory_space<hbm>>
      %dma_start3A_231 = tpu.memref_squeeze %dma_start3A_230 : memref<1x160x128xi32, #tpu.memory_space<hbm>> -> memref<160x128xi32, #tpu.memory_space<hbm>>
      tpu.enqueue_dma source(%dma_start3A_231 : memref<160x128xi32, #tpu.memory_space<hbm>>) target(%arg10 : memref<160x128xi32, #tpu.memory_space<vmem>>) target_semaphore(%run_scoped3A : memref<!tpu.dma_semaphore, #tpu.memory_space<semaphore_mem>>)
      %dma_wait3A = arith.constant 0 : i32
      %dma_wait3A_232 = arith.constant 0 : i32
      %dma_wait3A_233 = tpu.memref_slice %arg4[%arg1, %dma_wait3A, %dma_wait3A_232] : memref<16x160x128xi32, #tpu.memory_space<hbm>> -> memref<1x160x128xi32, #tpu.memory_space<hbm>>
      %dma_wait3A_234 = tpu.memref_squeeze %dma_wait3A_233 : memref<1x160x128xi32, #tpu.memory_space<hbm>> -> memref<160x128xi32, #tpu.memory_space<hbm>>
      %dma_wait3A_235 = arith.constant 0 : i32
      %dma_wait3A_236 = arith.constant 0 : i32
      %dma_wait3A_237 = tpu.memref_slice %arg4[%arg1, %dma_wait3A_235, %dma_wait3A_236] : memref<16x160x128xi32, #tpu.memory_space<hbm>> -> memref<1x160x128xi32, #tpu.memory_space<hbm>>
      %dma_wait3A_238 = tpu.memref_squeeze %dma_wait3A_237 : memref<1x160x128xi32, #tpu.memory_space<hbm>> -> memref<160x128xi32, #tpu.memory_space<hbm>>
      tpu.wait_dma2 semaphore(%run_scoped3A : memref<!tpu.dma_semaphore, #tpu.memory_space<semaphore_mem>>) src(%dma_wait3A_238 : memref<160x128xi32, #tpu.memory_space<hbm>>) dst(%arg10 : memref<160x128xi32, #tpu.memory_space<vmem>>)
      tpu.yield
    }) : () -> ()
    "tpu.region"() ({
      %run_scoped3A = tpu.sem_alloc : memref<!tpu.dma_semaphore, #tpu.memory_space<semaphore_mem>>
      tpu.enqueue_dma source(%arg6 : memref<8x16xf32, #tpu.memory_space<hbm>>) target(%arg21 : memref<8x16xf32, #tpu.memory_space<vmem>>) target_semaphore(%run_scoped3A : memref<!tpu.dma_semaphore, #tpu.memory_space<semaphore_mem>>)
      tpu.wait_dma2 semaphore(%run_scoped3A : memref<!tpu.dma_semaphore, #tpu.memory_space<semaphore_mem>>) src(%arg6 : memref<8x16xf32, #tpu.memory_space<hbm>>) dst(%arg21 : memref<8x16xf32, #tpu.memory_space<vmem>>)
      tpu.yield
    }) : () -> ()
    "tpu.region"() ({
      %run_scoped3A = tpu.sem_alloc : memref<!tpu.dma_semaphore, #tpu.memory_space<semaphore_mem>>
      tpu.enqueue_dma source(%arg7 : memref<8x16xi32, #tpu.memory_space<hbm>>) target(%arg22 : memref<8x16xi32, #tpu.memory_space<vmem>>) target_semaphore(%run_scoped3A : memref<!tpu.dma_semaphore, #tpu.memory_space<semaphore_mem>>)
      tpu.wait_dma2 semaphore(%run_scoped3A : memref<!tpu.dma_semaphore, #tpu.memory_space<semaphore_mem>>) src(%arg7 : memref<8x16xi32, #tpu.memory_space<hbm>>) dst(%arg22 : memref<8x16xi32, #tpu.memory_space<vmem>>)
      tpu.yield
    }) : () -> ()
    "tpu.region"() ({
      %run_scoped3A = tpu.sem_alloc : memref<!tpu.dma_semaphore, #tpu.memory_space<semaphore_mem>>
      %dma_start3A_224 = arith.constant 0 : i32
      %dma_start3A_225 = tpu.memref_slice %arg2[%arg0, %mul3A_0, %dma_start3A_224] : memref<2x10112x16xf32, #tpu.memory_space<hbm>> -> memref<1x632x16xf32, #tpu.memory_space<hbm>>
      %dma_start3A_226 = tpu.memref_squeeze %dma_start3A_225 : memref<1x632x16xf32, #tpu.memory_space<hbm>> -> memref<632x16xf32, #tpu.memory_space<hbm>>
      %dma_start3A_227 = arith.constant 0 : i32
      %dma_start3A_228 = tpu.memref_slice %arg2[%arg0, %mul3A_0, %dma_start3A_227] : memref<2x10112x16xf32, #tpu.memory_space<hbm>> -> memref<1x632x16xf32, #tpu.memory_space<hbm>>
      %dma_start3A_229 = tpu.memref_squeeze %dma_start3A_228 : memref<1x632x16xf32, #tpu.memory_space<hbm>> -> memref<632x16xf32, #tpu.memory_space<hbm>>
      tpu.enqueue_dma source(%dma_start3A_229 : memref<632x16xf32, #tpu.memory_space<hbm>>) target(%arg20 : memref<632x16xf32, #tpu.memory_space<vmem>>) target_semaphore(%run_scoped3A : memref<!tpu.dma_semaphore, #tpu.memory_space<semaphore_mem>>)
      %dma_wait3A = arith.constant 0 : i32
      %dma_wait3A_230 = tpu.memref_slice %arg2[%arg0, %mul3A_0, %dma_wait3A] : memref<2x10112x16xf32, #tpu.memory_space<hbm>> -> memref<1x632x16xf32, #tpu.memory_space<hbm>>
      %dma_wait3A_231 = tpu.memref_squeeze %dma_wait3A_230 : memref<1x632x16xf32, #tpu.memory_space<hbm>> -> memref<632x16xf32, #tpu.memory_space<hbm>>
      %dma_wait3A_232 = arith.constant 0 : i32
      %dma_wait3A_233 = tpu.memref_slice %arg2[%arg0, %mul3A_0, %dma_wait3A_232] : memref<2x10112x16xf32, #tpu.memory_space<hbm>> -> memref<1x632x16xf32, #tpu.memory_space<hbm>>
      %dma_wait3A_234 = tpu.memref_squeeze %dma_wait3A_233 : memref<1x632x16xf32, #tpu.memory_space<hbm>> -> memref<632x16xf32, #tpu.memory_space<hbm>>
      tpu.wait_dma2 semaphore(%run_scoped3A : memref<!tpu.dma_semaphore, #tpu.memory_space<semaphore_mem>>) src(%dma_wait3A_234 : memref<632x16xf32, #tpu.memory_space<hbm>>) dst(%arg20 : memref<632x16xf32, #tpu.memory_space<vmem>>)
      tpu.yield
    }) : () -> ()
    "tpu.region"() ({
      %run_scoped3A = tpu.sem_alloc : memref<!tpu.dma_semaphore, #tpu.memory_space<semaphore_mem>>
      %dma_start3A_224 = arith.constant 0 : i32
      %dma_start3A_225 = tpu.memref_slice %arg23[%mul3A_0, %dma_start3A_224] : memref<10112x16xf32, #tpu.memory_space<vmem_shared>> -> memref<632x16xf32, #tpu.memory_space<vmem_shared>>
      %dma_start3A_226 = arith.constant 0 : i32
      %dma_start3A_227 = tpu.memref_slice %arg23[%mul3A_0, %dma_start3A_226] : memref<10112x16xf32, #tpu.memory_space<vmem_shared>> -> memref<632x16xf32, #tpu.memory_space<vmem_shared>>
      tpu.enqueue_dma source(%arg20 : memref<632x16xf32, #tpu.memory_space<vmem>>) target(%dma_start3A_227 : memref<632x16xf32, #tpu.memory_space<vmem_shared>>) target_semaphore(%run_scoped3A : memref<!tpu.dma_semaphore, #tpu.memory_space<semaphore_mem>>)
      %dma_wait3A = arith.constant 0 : i32
      %dma_wait3A_228 = tpu.memref_slice %arg23[%mul3A_0, %dma_wait3A] : memref<10112x16xf32, #tpu.memory_space<vmem_shared>> -> memref<632x16xf32, #tpu.memory_space<vmem_shared>>
      %dma_wait3A_229 = arith.constant 0 : i32
      %dma_wait3A_230 = tpu.memref_slice %arg23[%mul3A_0, %dma_wait3A_229] : memref<10112x16xf32, #tpu.memory_space<vmem_shared>> -> memref<632x16xf32, #tpu.memory_space<vmem_shared>>
      tpu.wait_dma2 semaphore(%run_scoped3A : memref<!tpu.dma_semaphore, #tpu.memory_space<semaphore_mem>>) src(%arg20 : memref<632x16xf32, #tpu.memory_space<vmem>>) dst(%dma_wait3A_230 : memref<632x16xf32, #tpu.memory_space<vmem_shared>>)
      tpu.yield
    }) : () -> ()
    "tpu.region"() ({
      %run_scoped3A = tpu.sem_alloc : memref<!tpu.dma_semaphore, #tpu.memory_space<semaphore_mem>>
      %dma_start3A_224 = arith.constant 0 : i32
      %dma_start3A_225 = tpu.memref_slice %arg5[%mul3A_0, %dma_start3A_224] : memref<10112x16xf32, #tpu.memory_space<hbm>> -> memref<632x16xf32, #tpu.memory_space<hbm>>
      %dma_start3A_226 = arith.constant 0 : i32
      %dma_start3A_227 = tpu.memref_slice %arg5[%mul3A_0, %dma_start3A_226] : memref<10112x16xf32, #tpu.memory_space<hbm>> -> memref<632x16xf32, #tpu.memory_space<hbm>>
      tpu.enqueue_dma source(%dma_start3A_227 : memref<632x16xf32, #tpu.memory_space<hbm>>) target(%arg19 : memref<632x16xf32, #tpu.memory_space<vmem>>) target_semaphore(%run_scoped3A : memref<!tpu.dma_semaphore, #tpu.memory_space<semaphore_mem>>)
      %dma_wait3A = arith.constant 0 : i32
      %dma_wait3A_228 = tpu.memref_slice %arg5[%mul3A_0, %dma_wait3A] : memref<10112x16xf32, #tpu.memory_space<hbm>> -> memref<632x16xf32, #tpu.memory_space<hbm>>
      %dma_wait3A_229 = arith.constant 0 : i32
      %dma_wait3A_230 = tpu.memref_slice %arg5[%mul3A_0, %dma_wait3A_229] : memref<10112x16xf32, #tpu.memory_space<hbm>> -> memref<632x16xf32, #tpu.memory_space<hbm>>
      tpu.wait_dma2 semaphore(%run_scoped3A : memref<!tpu.dma_semaphore, #tpu.memory_space<semaphore_mem>>) src(%dma_wait3A_230 : memref<632x16xf32, #tpu.memory_space<hbm>>) dst(%arg19 : memref<632x16xf32, #tpu.memory_space<vmem>>)
      tpu.yield
    }) : () -> ()
    "tpu.region"() ({
      %run_scoped3A = tpu.sem_alloc : memref<!tpu.dma_semaphore, #tpu.memory_space<semaphore_mem>>
      %dma_start3A_224 = arith.constant 0 : i32
      %dma_start3A_225 = tpu.memref_slice %arg24[%mul3A_0, %dma_start3A_224] : memref<10112x16xf32, #tpu.memory_space<vmem_shared>> -> memref<632x16xf32, #tpu.memory_space<vmem_shared>>
      %dma_start3A_226 = arith.constant 0 : i32
      %dma_start3A_227 = tpu.memref_slice %arg24[%mul3A_0, %dma_start3A_226] : memref<10112x16xf32, #tpu.memory_space<vmem_shared>> -> memref<632x16xf32, #tpu.memory_space<vmem_shared>>
      tpu.enqueue_dma source(%arg19 : memref<632x16xf32, #tpu.memory_space<vmem>>) target(%dma_start3A_227 : memref<632x16xf32, #tpu.memory_space<vmem_shared>>) target_semaphore(%run_scoped3A : memref<!tpu.dma_semaphore, #tpu.memory_space<semaphore_mem>>)
      %dma_wait3A = arith.constant 0 : i32
      %dma_wait3A_228 = tpu.memref_slice %arg24[%mul3A_0, %dma_wait3A] : memref<10112x16xf32, #tpu.memory_space<vmem_shared>> -> memref<632x16xf32, #tpu.memory_space<vmem_shared>>
      %dma_wait3A_229 = arith.constant 0 : i32
      %dma_wait3A_230 = tpu.memref_slice %arg24[%mul3A_0, %dma_wait3A_229] : memref<10112x16xf32, #tpu.memory_space<vmem_shared>> -> memref<632x16xf32, #tpu.memory_space<vmem_shared>>
      tpu.wait_dma2 semaphore(%run_scoped3A : memref<!tpu.dma_semaphore, #tpu.memory_space<semaphore_mem>>) src(%arg19 : memref<632x16xf32, #tpu.memory_space<vmem>>) dst(%dma_wait3A_230 : memref<632x16xf32, #tpu.memory_space<vmem_shared>>)
      tpu.yield
    }) : () -> ()
    %barrier3A = arith.constant 0 : index
    tpu.barrier barrier_id(%barrier3A)
    %dma_start3A = arith.constant 0 : i32
    %dma_start3A_1 = arith.constant 0 : i32
    %dma_start3A_2 = tpu.memref_slice %arg9[%dma_start3A, %dma_start3A_1] : memref<160x128xi32, #tpu.memory_space<vmem>> -> memref<1x128xi32, #tpu.memory_space<vmem>>
    %dma_start3A_3 = tpu.memref_squeeze %dma_start3A_2 : memref<1x128xi32, #tpu.memory_space<vmem>> -> memref<128xi32, #tpu.memory_space<vmem>>
    %dma_start3A_4 = arith.constant 0 : i32
    %dma_start3A_5 = arith.constant 0 : i32
    %dma_start3A_6 = tpu.memref_slice %arg23[%dma_start3A_4, %dma_start3A_5] : memref<10112x16xf32, #tpu.memory_space<vmem_shared>> -> memref<10112x16xf32, #tpu.memory_space<vmem_shared>>
    tpu.enqueue_indirect_dma source(%dma_start3A_6 : memref<10112x16xf32, #tpu.memory_space<vmem_shared>>) target(%arg11 : memref<128x16xf32, #tpu.memory_space<vmem>>) offsets(%dma_start3A_3 : memref<128xi32, #tpu.memory_space<vmem>>) semaphore(%arg25 : memref<!tpu.dma_semaphore, #tpu.memory_space<semaphore_mem>>)
    %dma_start3A_7 = arith.constant 1 : i32
    %dma_start3A_8 = arith.constant 0 : i32
    %dma_start3A_9 = tpu.memref_slice %arg9[%dma_start3A_7, %dma_start3A_8] : memref<160x128xi32, #tpu.memory_space<vmem>> -> memref<1x128xi32, #tpu.memory_space<vmem>>
    %dma_start3A_10 = tpu.memref_squeeze %dma_start3A_9 : memref<1x128xi32, #tpu.memory_space<vmem>> -> memref<128xi32, #tpu.memory_space<vmem>>
    %dma_start3A_11 = arith.constant 0 : i32
    %dma_start3A_12 = arith.constant 0 : i32
    %dma_start3A_13 = tpu.memref_slice %arg23[%dma_start3A_11, %dma_start3A_12] : memref<10112x16xf32, #tpu.memory_space<vmem_shared>> -> memref<10112x16xf32, #tpu.memory_space<vmem_shared>>
    tpu.enqueue_indirect_dma source(%dma_start3A_13 : memref<10112x16xf32, #tpu.memory_space<vmem_shared>>) target(%arg12 : memref<128x16xf32, #tpu.memory_space<vmem>>) offsets(%dma_start3A_10 : memref<128xi32, #tpu.memory_space<vmem>>) semaphore(%arg26 : memref<!tpu.dma_semaphore, #tpu.memory_space<semaphore_mem>>)
    %dma_start3A_14 = arith.constant 2 : i32
    %dma_start3A_15 = arith.constant 0 : i32
    %dma_start3A_16 = tpu.memref_slice %arg9[%dma_start3A_14, %dma_start3A_15] : memref<160x128xi32, #tpu.memory_space<vmem>> -> memref<1x128xi32, #tpu.memory_space<vmem>>
    %dma_start3A_17 = tpu.memref_squeeze %dma_start3A_16 : memref<1x128xi32, #tpu.memory_space<vmem>> -> memref<128xi32, #tpu.memory_space<vmem>>
    %dma_start3A_18 = arith.constant 0 : i32
    %dma_start3A_19 = arith.constant 0 : i32
    %dma_start3A_20 = tpu.memref_slice %arg23[%dma_start3A_18, %dma_start3A_19] : memref<10112x16xf32, #tpu.memory_space<vmem_shared>> -> memref<10112x16xf32, #tpu.memory_space<vmem_shared>>
    tpu.enqueue_indirect_dma source(%dma_start3A_20 : memref<10112x16xf32, #tpu.memory_space<vmem_shared>>) target(%arg13 : memref<128x16xf32, #tpu.memory_space<vmem>>) offsets(%dma_start3A_17 : memref<128xi32, #tpu.memory_space<vmem>>) semaphore(%arg27 : memref<!tpu.dma_semaphore, #tpu.memory_space<semaphore_mem>>)
    %dma_start3A_21 = arith.constant 3 : i32
    %dma_start3A_22 = arith.constant 0 : i32
    %dma_start3A_23 = tpu.memref_slice %arg9[%dma_start3A_21, %dma_start3A_22] : memref<160x128xi32, #tpu.memory_space<vmem>> -> memref<1x128xi32, #tpu.memory_space<vmem>>
    %dma_start3A_24 = tpu.memref_squeeze %dma_start3A_23 : memref<1x128xi32, #tpu.memory_space<vmem>> -> memref<128xi32, #tpu.memory_space<vmem>>
    %dma_start3A_25 = arith.constant 0 : i32
    %dma_start3A_26 = arith.constant 0 : i32
    %dma_start3A_27 = tpu.memref_slice %arg23[%dma_start3A_25, %dma_start3A_26] : memref<10112x16xf32, #tpu.memory_space<vmem_shared>> -> memref<10112x16xf32, #tpu.memory_space<vmem_shared>>
    tpu.enqueue_indirect_dma source(%dma_start3A_27 : memref<10112x16xf32, #tpu.memory_space<vmem_shared>>) target(%arg14 : memref<128x16xf32, #tpu.memory_space<vmem>>) offsets(%dma_start3A_24 : memref<128xi32, #tpu.memory_space<vmem>>) semaphore(%arg28 : memref<!tpu.dma_semaphore, #tpu.memory_space<semaphore_mem>>)
    %dma_start3A_28 = arith.constant 4 : i32
    %dma_start3A_29 = arith.constant 0 : i32
    %dma_start3A_30 = tpu.memref_slice %arg9[%dma_start3A_28, %dma_start3A_29] : memref<160x128xi32, #tpu.memory_space<vmem>> -> memref<1x128xi32, #tpu.memory_space<vmem>>
    %dma_start3A_31 = tpu.memref_squeeze %dma_start3A_30 : memref<1x128xi32, #tpu.memory_space<vmem>> -> memref<128xi32, #tpu.memory_space<vmem>>
    %dma_start3A_32 = arith.constant 0 : i32
    %dma_start3A_33 = arith.constant 0 : i32
    %dma_start3A_34 = tpu.memref_slice %arg23[%dma_start3A_32, %dma_start3A_33] : memref<10112x16xf32, #tpu.memory_space<vmem_shared>> -> memref<10112x16xf32, #tpu.memory_space<vmem_shared>>
    tpu.enqueue_indirect_dma source(%dma_start3A_34 : memref<10112x16xf32, #tpu.memory_space<vmem_shared>>) target(%arg15 : memref<128x16xf32, #tpu.memory_space<vmem>>) offsets(%dma_start3A_31 : memref<128xi32, #tpu.memory_space<vmem>>) semaphore(%arg29 : memref<!tpu.dma_semaphore, #tpu.memory_space<semaphore_mem>>)
    %dma_start3A_35 = arith.constant 5 : i32
    %dma_start3A_36 = arith.constant 0 : i32
    %dma_start3A_37 = tpu.memref_slice %arg9[%dma_start3A_35, %dma_start3A_36] : memref<160x128xi32, #tpu.memory_space<vmem>> -> memref<1x128xi32, #tpu.memory_space<vmem>>
    %dma_start3A_38 = tpu.memref_squeeze %dma_start3A_37 : memref<1x128xi32, #tpu.memory_space<vmem>> -> memref<128xi32, #tpu.memory_space<vmem>>
    %dma_start3A_39 = arith.constant 0 : i32
    %dma_start3A_40 = arith.constant 0 : i32
    %dma_start3A_41 = tpu.memref_slice %arg23[%dma_start3A_39, %dma_start3A_40] : memref<10112x16xf32, #tpu.memory_space<vmem_shared>> -> memref<10112x16xf32, #tpu.memory_space<vmem_shared>>
    tpu.enqueue_indirect_dma source(%dma_start3A_41 : memref<10112x16xf32, #tpu.memory_space<vmem_shared>>) target(%arg16 : memref<128x16xf32, #tpu.memory_space<vmem>>) offsets(%dma_start3A_38 : memref<128xi32, #tpu.memory_space<vmem>>) semaphore(%arg30 : memref<!tpu.dma_semaphore, #tpu.memory_space<semaphore_mem>>)
    %dma_start3A_42 = arith.constant 6 : i32
    %dma_start3A_43 = arith.constant 0 : i32
    %dma_start3A_44 = tpu.memref_slice %arg9[%dma_start3A_42, %dma_start3A_43] : memref<160x128xi32, #tpu.memory_space<vmem>> -> memref<1x128xi32, #tpu.memory_space<vmem>>
    %dma_start3A_45 = tpu.memref_squeeze %dma_start3A_44 : memref<1x128xi32, #tpu.memory_space<vmem>> -> memref<128xi32, #tpu.memory_space<vmem>>
    %dma_start3A_46 = arith.constant 0 : i32
    %dma_start3A_47 = arith.constant 0 : i32
    %dma_start3A_48 = tpu.memref_slice %arg23[%dma_start3A_46, %dma_start3A_47] : memref<10112x16xf32, #tpu.memory_space<vmem_shared>> -> memref<10112x16xf32, #tpu.memory_space<vmem_shared>>
    tpu.enqueue_indirect_dma source(%dma_start3A_48 : memref<10112x16xf32, #tpu.memory_space<vmem_shared>>) target(%arg17 : memref<128x16xf32, #tpu.memory_space<vmem>>) offsets(%dma_start3A_45 : memref<128xi32, #tpu.memory_space<vmem>>) semaphore(%arg31 : memref<!tpu.dma_semaphore, #tpu.memory_space<semaphore_mem>>)
    %dma_start3A_49 = arith.constant 7 : i32
    %dma_start3A_50 = arith.constant 0 : i32
    %dma_start3A_51 = tpu.memref_slice %arg9[%dma_start3A_49, %dma_start3A_50] : memref<160x128xi32, #tpu.memory_space<vmem>> -> memref<1x128xi32, #tpu.memory_space<vmem>>
    %dma_start3A_52 = tpu.memref_squeeze %dma_start3A_51 : memref<1x128xi32, #tpu.memory_space<vmem>> -> memref<128xi32, #tpu.memory_space<vmem>>
    %dma_start3A_53 = arith.constant 0 : i32
    %dma_start3A_54 = arith.constant 0 : i32
    %dma_start3A_55 = tpu.memref_slice %arg23[%dma_start3A_53, %dma_start3A_54] : memref<10112x16xf32, #tpu.memory_space<vmem_shared>> -> memref<10112x16xf32, #tpu.memory_space<vmem_shared>>
    tpu.enqueue_indirect_dma source(%dma_start3A_55 : memref<10112x16xf32, #tpu.memory_space<vmem_shared>>) target(%arg18 : memref<128x16xf32, #tpu.memory_space<vmem>>) offsets(%dma_start3A_52 : memref<128xi32, #tpu.memory_space<vmem>>) semaphore(%arg32 : memref<!tpu.dma_semaphore, #tpu.memory_space<semaphore_mem>>)
    %scan3A = arith.constant 0 : i32
    %scan3A_56 = arith.constant 20 : i32
    %scan3A_57 = arith.addi %scan3A, %scan3A_56 : i32
    %scan3A_58 = arith.constant 1 : i32
    scf.for %scan3A_224 = %scan3A to %scan3A_57 step %scan3A_58  : i32 {
      %mul3A_225 = arith.constant 8 : i32
      %mul3A_226 = arith.muli %scan3A_224, %mul3A_225 : i32
      %add3A = arith.constant 0 : i32
      %add3A_227 = arith.addi %mul3A_226, %add3A : i32
      %dma_wait3A = arith.constant 0 : i32
      %dma_wait3A_228 = tpu.memref_slice %arg9[%add3A_227, %dma_wait3A] : memref<160x128xi32, #tpu.memory_space<vmem>> -> memref<1x128xi32, #tpu.memory_space<vmem>>
      %dma_wait3A_229 = tpu.memref_squeeze %dma_wait3A_228 : memref<1x128xi32, #tpu.memory_space<vmem>> -> memref<128xi32, #tpu.memory_space<vmem>>
      %dma_wait3A_230 = arith.constant 0 : i32
      %dma_wait3A_231 = arith.constant 0 : i32
      %dma_wait3A_232 = tpu.memref_slice %arg23[%dma_wait3A_230, %dma_wait3A_231] : memref<10112x16xf32, #tpu.memory_space<vmem_shared>> -> memref<10112x16xf32, #tpu.memory_space<vmem_shared>>
      tpu.wait_indirect_dma semaphore(%arg25 : memref<!tpu.dma_semaphore, #tpu.memory_space<semaphore_mem>>) src(%dma_wait3A_232 : memref<10112x16xf32, #tpu.memory_space<vmem_shared>>) dst(%arg11 : memref<128x16xf32, #tpu.memory_space<vmem>>)
      "tpu.region"() ({
        %run_scoped3A = tpu.sem_alloc : memref<!tpu.dma_semaphore, #tpu.memory_space<semaphore_mem>>
        %dma_start3A_340 = arith.constant 0 : i32
        %dma_start3A_341 = tpu.memref_slice %arg10[%add3A_227, %dma_start3A_340] : memref<160x128xi32, #tpu.memory_space<vmem>> -> memref<1x128xi32, #tpu.memory_space<vmem>>
        %dma_start3A_342 = tpu.memref_squeeze %dma_start3A_341 : memref<1x128xi32, #tpu.memory_space<vmem>> -> memref<128xi32, #tpu.memory_space<vmem>>
        %dma_start3A_343 = arith.constant 0 : i32
        %dma_start3A_344 = arith.constant 0 : i32
        %dma_start3A_345 = tpu.memref_slice %arg24[%dma_start3A_343, %dma_start3A_344] : memref<10112x16xf32, #tpu.memory_space<vmem_shared>> -> memref<10112x16xf32, #tpu.memory_space<vmem_shared>>
        tpu.enqueue_indirect_dma source(%arg11 : memref<128x16xf32, #tpu.memory_space<vmem>>) target(%dma_start3A_345 : memref<10112x16xf32, #tpu.memory_space<vmem_shared>>) offsets(%dma_start3A_342 : memref<128xi32, #tpu.memory_space<vmem>>) semaphore(%run_scoped3A : memref<!tpu.dma_semaphore, #tpu.memory_space<semaphore_mem>>) {add = true}
        %dma_wait3A_346 = arith.constant 0 : i32
        %dma_wait3A_347 = tpu.memref_slice %arg10[%add3A_227, %dma_wait3A_346] : memref<160x128xi32, #tpu.memory_space<vmem>> -> memref<1x128xi32, #tpu.memory_space<vmem>>
        %dma_wait3A_348 = tpu.memref_squeeze %dma_wait3A_347 : memref<1x128xi32, #tpu.memory_space<vmem>> -> memref<128xi32, #tpu.memory_space<vmem>>
        %dma_wait3A_349 = arith.constant 0 : i32
        %dma_wait3A_350 = arith.constant 0 : i32
        %dma_wait3A_351 = tpu.memref_slice %arg24[%dma_wait3A_349, %dma_wait3A_350] : memref<10112x16xf32, #tpu.memory_space<vmem_shared>> -> memref<10112x16xf32, #tpu.memory_space<vmem_shared>>
        tpu.wait_indirect_dma semaphore(%run_scoped3A : memref<!tpu.dma_semaphore, #tpu.memory_space<semaphore_mem>>) src(%arg11 : memref<128x16xf32, #tpu.memory_space<vmem>>) dst(%dma_wait3A_351 : memref<10112x16xf32, #tpu.memory_space<vmem_shared>>)
        tpu.yield
      }) : () -> ()
      %lt3A = arith.constant 152 : i32
      %lt3A_233 = arith.cmpi slt, %add3A_227, %lt3A : i32
      %convert_element_type3A = arith.extui %lt3A_233 : i1 to i32
      %cond3A = arith.constant 0 : i32
      %cond3A_234 = arith.cmpi ne, %convert_element_type3A, %cond3A : i32
      scf.if %cond3A_234 {
        %add3A_340 = arith.constant 8 : i32
        %add3A_341 = arith.addi %add3A_227, %add3A_340 : i32
        %dma_start3A_342 = arith.constant 0 : i32
        %dma_start3A_343 = tpu.memref_slice %arg9[%add3A_341, %dma_start3A_342] : memref<160x128xi32, #tpu.memory_space<vmem>> -> memref<1x128xi32, #tpu.memory_space<vmem>>
        %dma_start3A_344 = tpu.memref_squeeze %dma_start3A_343 : memref<1x128xi32, #tpu.memory_space<vmem>> -> memref<128xi32, #tpu.memory_space<vmem>>
        %dma_start3A_345 = arith.constant 0 : i32
        %dma_start3A_346 = arith.constant 0 : i32
        %dma_start3A_347 = tpu.memref_slice %arg23[%dma_start3A_345, %dma_start3A_346] : memref<10112x16xf32, #tpu.memory_space<vmem_shared>> -> memref<10112x16xf32, #tpu.memory_space<vmem_shared>>
        tpu.enqueue_indirect_dma source(%dma_start3A_347 : memref<10112x16xf32, #tpu.memory_space<vmem_shared>>) target(%arg11 : memref<128x16xf32, #tpu.memory_space<vmem>>) offsets(%dma_start3A_344 : memref<128xi32, #tpu.memory_space<vmem>>) semaphore(%arg25 : memref<!tpu.dma_semaphore, #tpu.memory_space<semaphore_mem>>)
      } else {
      }
      %mul3A_235 = arith.constant 8 : i32
      %mul3A_236 = arith.muli %scan3A_224, %mul3A_235 : i32
      %add3A_237 = arith.constant 1 : i32
      %add3A_238 = arith.addi %mul3A_236, %add3A_237 : i32
      %dma_wait3A_239 = arith.constant 0 : i32
      %dma_wait3A_240 = tpu.memref_slice %arg9[%add3A_238, %dma_wait3A_239] : memref<160x128xi32, #tpu.memory_space<vmem>> -> memref<1x128xi32, #tpu.memory_space<vmem>>
      %dma_wait3A_241 = tpu.memref_squeeze %dma_wait3A_240 : memref<1x128xi32, #tpu.memory_space<vmem>> -> memref<128xi32, #tpu.memory_space<vmem>>
      %dma_wait3A_242 = arith.constant 0 : i32
      %dma_wait3A_243 = arith.constant 0 : i32
      %dma_wait3A_244 = tpu.memref_slice %arg23[%dma_wait3A_242, %dma_wait3A_243] : memref<10112x16xf32, #tpu.memory_space<vmem_shared>> -> memref<10112x16xf32, #tpu.memory_space<vmem_shared>>
      tpu.wait_indirect_dma semaphore(%arg26 : memref<!tpu.dma_semaphore, #tpu.memory_space<semaphore_mem>>) src(%dma_wait3A_244 : memref<10112x16xf32, #tpu.memory_space<vmem_shared>>) dst(%arg12 : memref<128x16xf32, #tpu.memory_space<vmem>>)
      "tpu.region"() ({
        %run_scoped3A = tpu.sem_alloc : memref<!tpu.dma_semaphore, #tpu.memory_space<semaphore_mem>>
        %dma_start3A_340 = arith.constant 0 : i32
        %dma_start3A_341 = tpu.memref_slice %arg10[%add3A_238, %dma_start3A_340] : memref<160x128xi32, #tpu.memory_space<vmem>> -> memref<1x128xi32, #tpu.memory_space<vmem>>
        %dma_start3A_342 = tpu.memref_squeeze %dma_start3A_341 : memref<1x128xi32, #tpu.memory_space<vmem>> -> memref<128xi32, #tpu.memory_space<vmem>>
        %dma_start3A_343 = arith.constant 0 : i32
        %dma_start3A_344 = arith.constant 0 : i32
        %dma_start3A_345 = tpu.memref_slice %arg24[%dma_start3A_343, %dma_start3A_344] : memref<10112x16xf32, #tpu.memory_space<vmem_shared>> -> memref<10112x16xf32, #tpu.memory_space<vmem_shared>>
        tpu.enqueue_indirect_dma source(%arg12 : memref<128x16xf32, #tpu.memory_space<vmem>>) target(%dma_start3A_345 : memref<10112x16xf32, #tpu.memory_space<vmem_shared>>) offsets(%dma_start3A_342 : memref<128xi32, #tpu.memory_space<vmem>>) semaphore(%run_scoped3A : memref<!tpu.dma_semaphore, #tpu.memory_space<semaphore_mem>>) {add = true}
        %dma_wait3A_346 = arith.constant 0 : i32
        %dma_wait3A_347 = tpu.memref_slice %arg10[%add3A_238, %dma_wait3A_346] : memref<160x128xi32, #tpu.memory_space<vmem>> -> memref<1x128xi32, #tpu.memory_space<vmem>>
        %dma_wait3A_348 = tpu.memref_squeeze %dma_wait3A_347 : memref<1x128xi32, #tpu.memory_space<vmem>> -> memref<128xi32, #tpu.memory_space<vmem>>
        %dma_wait3A_349 = arith.constant 0 : i32
        %dma_wait3A_350 = arith.constant 0 : i32
        %dma_wait3A_351 = tpu.memref_slice %arg24[%dma_wait3A_349, %dma_wait3A_350] : memref<10112x16xf32, #tpu.memory_space<vmem_shared>> -> memref<10112x16xf32, #tpu.memory_space<vmem_shared>>
        tpu.wait_indirect_dma semaphore(%run_scoped3A : memref<!tpu.dma_semaphore, #tpu.memory_space<semaphore_mem>>) src(%arg12 : memref<128x16xf32, #tpu.memory_space<vmem>>) dst(%dma_wait3A_351 : memref<10112x16xf32, #tpu.memory_space<vmem_shared>>)
        tpu.yield
      }) : () -> ()
      %lt3A_245 = arith.constant 152 : i32
      %lt3A_246 = arith.cmpi slt, %add3A_238, %lt3A_245 : i32
      %convert_element_type3A_247 = arith.extui %lt3A_246 : i1 to i32
      %cond3A_248 = arith.constant 0 : i32
      %cond3A_249 = arith.cmpi ne, %convert_element_type3A_247, %cond3A_248 : i32
      scf.if %cond3A_249 {
        %add3A_340 = arith.constant 8 : i32
        %add3A_341 = arith.addi %add3A_238, %add3A_340 : i32
        %dma_start3A_342 = arith.constant 0 : i32
        %dma_start3A_343 = tpu.memref_slice %arg9[%add3A_341, %dma_start3A_342] : memref<160x128xi32, #tpu.memory_space<vmem>> -> memref<1x128xi32, #tpu.memory_space<vmem>>
        %dma_start3A_344 = tpu.memref_squeeze %dma_start3A_343 : memref<1x128xi32, #tpu.memory_space<vmem>> -> memref<128xi32, #tpu.memory_space<vmem>>
        %dma_start3A_345 = arith.constant 0 : i32
        %dma_start3A_346 = arith.constant 0 : i32
        %dma_start3A_347 = tpu.memref_slice %arg23[%dma_start3A_345, %dma_start3A_346] : memref<10112x16xf32, #tpu.memory_space<vmem_shared>> -> memref<10112x16xf32, #tpu.memory_space<vmem_shared>>
        tpu.enqueue_indirect_dma source(%dma_start3A_347 : memref<10112x16xf32, #tpu.memory_space<vmem_shared>>) target(%arg12 : memref<128x16xf32, #tpu.memory_space<vmem>>) offsets(%dma_start3A_344 : memref<128xi32, #tpu.memory_space<vmem>>) semaphore(%arg26 : memref<!tpu.dma_semaphore, #tpu.memory_space<semaphore_mem>>)
      } else {
      }
      %mul3A_250 = arith.constant 8 : i32
      %mul3A_251 = arith.muli %scan3A_224, %mul3A_250 : i32
      %add3A_252 = arith.constant 2 : i32
      %add3A_253 = arith.addi %mul3A_251, %add3A_252 : i32
      %dma_wait3A_254 = arith.constant 0 : i32
      %dma_wait3A_255 = tpu.memref_slice %arg9[%add3A_253, %dma_wait3A_254] : memref<160x128xi32, #tpu.memory_space<vmem>> -> memref<1x128xi32, #tpu.memory_space<vmem>>
      %dma_wait3A_256 = tpu.memref_squeeze %dma_wait3A_255 : memref<1x128xi32, #tpu.memory_space<vmem>> -> memref<128xi32, #tpu.memory_space<vmem>>
      %dma_wait3A_257 = arith.constant 0 : i32
      %dma_wait3A_258 = arith.constant 0 : i32
      %dma_wait3A_259 = tpu.memref_slice %arg23[%dma_wait3A_257, %dma_wait3A_258] : memref<10112x16xf32, #tpu.memory_space<vmem_shared>> -> memref<10112x16xf32, #tpu.memory_space<vmem_shared>>
      tpu.wait_indirect_dma semaphore(%arg27 : memref<!tpu.dma_semaphore, #tpu.memory_space<semaphore_mem>>) src(%dma_wait3A_259 : memref<10112x16xf32, #tpu.memory_space<vmem_shared>>) dst(%arg13 : memref<128x16xf32, #tpu.memory_space<vmem>>)
      "tpu.region"() ({
        %run_scoped3A = tpu.sem_alloc : memref<!tpu.dma_semaphore, #tpu.memory_space<semaphore_mem>>
        %dma_start3A_340 = arith.constant 0 : i32
        %dma_start3A_341 = tpu.memref_slice %arg10[%add3A_253, %dma_start3A_340] : memref<160x128xi32, #tpu.memory_space<vmem>> -> memref<1x128xi32, #tpu.memory_space<vmem>>
        %dma_start3A_342 = tpu.memref_squeeze %dma_start3A_341 : memref<1x128xi32, #tpu.memory_space<vmem>> -> memref<128xi32, #tpu.memory_space<vmem>>
        %dma_start3A_343 = arith.constant 0 : i32
        %dma_start3A_344 = arith.constant 0 : i32
        %dma_start3A_345 = tpu.memref_slice %arg24[%dma_start3A_343, %dma_start3A_344] : memref<10112x16xf32, #tpu.memory_space<vmem_shared>> -> memref<10112x16xf32, #tpu.memory_space<vmem_shared>>
        tpu.enqueue_indirect_dma source(%arg13 : memref<128x16xf32, #tpu.memory_space<vmem>>) target(%dma_start3A_345 : memref<10112x16xf32, #tpu.memory_space<vmem_shared>>) offsets(%dma_start3A_342 : memref<128xi32, #tpu.memory_space<vmem>>) semaphore(%run_scoped3A : memref<!tpu.dma_semaphore, #tpu.memory_space<semaphore_mem>>) {add = true}
        %dma_wait3A_346 = arith.constant 0 : i32
        %dma_wait3A_347 = tpu.memref_slice %arg10[%add3A_253, %dma_wait3A_346] : memref<160x128xi32, #tpu.memory_space<vmem>> -> memref<1x128xi32, #tpu.memory_space<vmem>>
        %dma_wait3A_348 = tpu.memref_squeeze %dma_wait3A_347 : memref<1x128xi32, #tpu.memory_space<vmem>> -> memref<128xi32, #tpu.memory_space<vmem>>
        %dma_wait3A_349 = arith.constant 0 : i32
        %dma_wait3A_350 = arith.constant 0 : i32
        %dma_wait3A_351 = tpu.memref_slice %arg24[%dma_wait3A_349, %dma_wait3A_350] : memref<10112x16xf32, #tpu.memory_space<vmem_shared>> -> memref<10112x16xf32, #tpu.memory_space<vmem_shared>>
        tpu.wait_indirect_dma semaphore(%run_scoped3A : memref<!tpu.dma_semaphore, #tpu.memory_space<semaphore_mem>>) src(%arg13 : memref<128x16xf32, #tpu.memory_space<vmem>>) dst(%dma_wait3A_351 : memref<10112x16xf32, #tpu.memory_space<vmem_shared>>)
        tpu.yield
      }) : () -> ()
      %lt3A_260 = arith.constant 152 : i32
      %lt3A_261 = arith.cmpi slt, %add3A_253, %lt3A_260 : i32
      %convert_element_type3A_262 = arith.extui %lt3A_261 : i1 to i32
      %cond3A_263 = arith.constant 0 : i32
      %cond3A_264 = arith.cmpi ne, %convert_element_type3A_262, %cond3A_263 : i32
      scf.if %cond3A_264 {
        %add3A_340 = arith.constant 8 : i32
        %add3A_341 = arith.addi %add3A_253, %add3A_340 : i32
        %dma_start3A_342 = arith.constant 0 : i32
        %dma_start3A_343 = tpu.memref_slice %arg9[%add3A_341, %dma_start3A_342] : memref<160x128xi32, #tpu.memory_space<vmem>> -> memref<1x128xi32, #tpu.memory_space<vmem>>
        %dma_start3A_344 = tpu.memref_squeeze %dma_start3A_343 : memref<1x128xi32, #tpu.memory_space<vmem>> -> memref<128xi32, #tpu.memory_space<vmem>>
        %dma_start3A_345 = arith.constant 0 : i32
        %dma_start3A_346 = arith.constant 0 : i32
        %dma_start3A_347 = tpu.memref_slice %arg23[%dma_start3A_345, %dma_start3A_346] : memref<10112x16xf32, #tpu.memory_space<vmem_shared>> -> memref<10112x16xf32, #tpu.memory_space<vmem_shared>>
        tpu.enqueue_indirect_dma source(%dma_start3A_347 : memref<10112x16xf32, #tpu.memory_space<vmem_shared>>) target(%arg13 : memref<128x16xf32, #tpu.memory_space<vmem>>) offsets(%dma_start3A_344 : memref<128xi32, #tpu.memory_space<vmem>>) semaphore(%arg27 : memref<!tpu.dma_semaphore, #tpu.memory_space<semaphore_mem>>)
      } else {
      }
      %mul3A_265 = arith.constant 8 : i32
      %mul3A_266 = arith.muli %scan3A_224, %mul3A_265 : i32
      %add3A_267 = arith.constant 3 : i32
      %add3A_268 = arith.addi %mul3A_266, %add3A_267 : i32
      %dma_wait3A_269 = arith.constant 0 : i32
      %dma_wait3A_270 = tpu.memref_slice %arg9[%add3A_268, %dma_wait3A_269] : memref<160x128xi32, #tpu.memory_space<vmem>> -> memref<1x128xi32, #tpu.memory_space<vmem>>
      %dma_wait3A_271 = tpu.memref_squeeze %dma_wait3A_270 : memref<1x128xi32, #tpu.memory_space<vmem>> -> memref<128xi32, #tpu.memory_space<vmem>>
      %dma_wait3A_272 = arith.constant 0 : i32
      %dma_wait3A_273 = arith.constant 0 : i32
      %dma_wait3A_274 = tpu.memref_slice %arg23[%dma_wait3A_272, %dma_wait3A_273] : memref<10112x16xf32, #tpu.memory_space<vmem_shared>> -> memref<10112x16xf32, #tpu.memory_space<vmem_shared>>
      tpu.wait_indirect_dma semaphore(%arg28 : memref<!tpu.dma_semaphore, #tpu.memory_space<semaphore_mem>>) src(%dma_wait3A_274 : memref<10112x16xf32, #tpu.memory_space<vmem_shared>>) dst(%arg14 : memref<128x16xf32, #tpu.memory_space<vmem>>)
      "tpu.region"() ({
        %run_scoped3A = tpu.sem_alloc : memref<!tpu.dma_semaphore, #tpu.memory_space<semaphore_mem>>
        %dma_start3A_340 = arith.constant 0 : i32
        %dma_start3A_341 = tpu.memref_slice %arg10[%add3A_268, %dma_start3A_340] : memref<160x128xi32, #tpu.memory_space<vmem>> -> memref<1x128xi32, #tpu.memory_space<vmem>>
        %dma_start3A_342 = tpu.memref_squeeze %dma_start3A_341 : memref<1x128xi32, #tpu.memory_space<vmem>> -> memref<128xi32, #tpu.memory_space<vmem>>
        %dma_start3A_343 = arith.constant 0 : i32
        %dma_start3A_344 = arith.constant 0 : i32
        %dma_start3A_345 = tpu.memref_slice %arg24[%dma_start3A_343, %dma_start3A_344] : memref<10112x16xf32, #tpu.memory_space<vmem_shared>> -> memref<10112x16xf32, #tpu.memory_space<vmem_shared>>
        tpu.enqueue_indirect_dma source(%arg14 : memref<128x16xf32, #tpu.memory_space<vmem>>) target(%dma_start3A_345 : memref<10112x16xf32, #tpu.memory_space<vmem_shared>>) offsets(%dma_start3A_342 : memref<128xi32, #tpu.memory_space<vmem>>) semaphore(%run_scoped3A : memref<!tpu.dma_semaphore, #tpu.memory_space<semaphore_mem>>) {add = true}
        %dma_wait3A_346 = arith.constant 0 : i32
        %dma_wait3A_347 = tpu.memref_slice %arg10[%add3A_268, %dma_wait3A_346] : memref<160x128xi32, #tpu.memory_space<vmem>> -> memref<1x128xi32, #tpu.memory_space<vmem>>
        %dma_wait3A_348 = tpu.memref_squeeze %dma_wait3A_347 : memref<1x128xi32, #tpu.memory_space<vmem>> -> memref<128xi32, #tpu.memory_space<vmem>>
        %dma_wait3A_349 = arith.constant 0 : i32
        %dma_wait3A_350 = arith.constant 0 : i32
        %dma_wait3A_351 = tpu.memref_slice %arg24[%dma_wait3A_349, %dma_wait3A_350] : memref<10112x16xf32, #tpu.memory_space<vmem_shared>> -> memref<10112x16xf32, #tpu.memory_space<vmem_shared>>
        tpu.wait_indirect_dma semaphore(%run_scoped3A : memref<!tpu.dma_semaphore, #tpu.memory_space<semaphore_mem>>) src(%arg14 : memref<128x16xf32, #tpu.memory_space<vmem>>) dst(%dma_wait3A_351 : memref<10112x16xf32, #tpu.memory_space<vmem_shared>>)
        tpu.yield
      }) : () -> ()
      %lt3A_275 = arith.constant 152 : i32
      %lt3A_276 = arith.cmpi slt, %add3A_268, %lt3A_275 : i32
      %convert_element_type3A_277 = arith.extui %lt3A_276 : i1 to i32
      %cond3A_278 = arith.constant 0 : i32
      %cond3A_279 = arith.cmpi ne, %convert_element_type3A_277, %cond3A_278 : i32
      scf.if %cond3A_279 {
        %add3A_340 = arith.constant 8 : i32
        %add3A_341 = arith.addi %add3A_268, %add3A_340 : i32
        %dma_start3A_342 = arith.constant 0 : i32
        %dma_start3A_343 = tpu.memref_slice %arg9[%add3A_341, %dma_start3A_342] : memref<160x128xi32, #tpu.memory_space<vmem>> -> memref<1x128xi32, #tpu.memory_space<vmem>>
        %dma_start3A_344 = tpu.memref_squeeze %dma_start3A_343 : memref<1x128xi32, #tpu.memory_space<vmem>> -> memref<128xi32, #tpu.memory_space<vmem>>
        %dma_start3A_345 = arith.constant 0 : i32
        %dma_start3A_346 = arith.constant 0 : i32
        %dma_start3A_347 = tpu.memref_slice %arg23[%dma_start3A_345, %dma_start3A_346] : memref<10112x16xf32, #tpu.memory_space<vmem_shared>> -> memref<10112x16xf32, #tpu.memory_space<vmem_shared>>
        tpu.enqueue_indirect_dma source(%dma_start3A_347 : memref<10112x16xf32, #tpu.memory_space<vmem_shared>>) target(%arg14 : memref<128x16xf32, #tpu.memory_space<vmem>>) offsets(%dma_start3A_344 : memref<128xi32, #tpu.memory_space<vmem>>) semaphore(%arg28 : memref<!tpu.dma_semaphore, #tpu.memory_space<semaphore_mem>>)
      } else {
      }
      %mul3A_280 = arith.constant 8 : i32
      %mul3A_281 = arith.muli %scan3A_224, %mul3A_280 : i32
      %add3A_282 = arith.constant 4 : i32
      %add3A_283 = arith.addi %mul3A_281, %add3A_282 : i32
      %dma_wait3A_284 = arith.constant 0 : i32
      %dma_wait3A_285 = tpu.memref_slice %arg9[%add3A_283, %dma_wait3A_284] : memref<160x128xi32, #tpu.memory_space<vmem>> -> memref<1x128xi32, #tpu.memory_space<vmem>>
      %dma_wait3A_286 = tpu.memref_squeeze %dma_wait3A_285 : memref<1x128xi32, #tpu.memory_space<vmem>> -> memref<128xi32, #tpu.memory_space<vmem>>
      %dma_wait3A_287 = arith.constant 0 : i32
      %dma_wait3A_288 = arith.constant 0 : i32
      %dma_wait3A_289 = tpu.memref_slice %arg23[%dma_wait3A_287, %dma_wait3A_288] : memref<10112x16xf32, #tpu.memory_space<vmem_shared>> -> memref<10112x16xf32, #tpu.memory_space<vmem_shared>>
      tpu.wait_indirect_dma semaphore(%arg29 : memref<!tpu.dma_semaphore, #tpu.memory_space<semaphore_mem>>) src(%dma_wait3A_289 : memref<10112x16xf32, #tpu.memory_space<vmem_shared>>) dst(%arg15 : memref<128x16xf32, #tpu.memory_space<vmem>>)
      "tpu.region"() ({
        %run_scoped3A = tpu.sem_alloc : memref<!tpu.dma_semaphore, #tpu.memory_space<semaphore_mem>>
        %dma_start3A_340 = arith.constant 0 : i32
        %dma_start3A_341 = tpu.memref_slice %arg10[%add3A_283, %dma_start3A_340] : memref<160x128xi32, #tpu.memory_space<vmem>> -> memref<1x128xi32, #tpu.memory_space<vmem>>
        %dma_start3A_342 = tpu.memref_squeeze %dma_start3A_341 : memref<1x128xi32, #tpu.memory_space<vmem>> -> memref<128xi32, #tpu.memory_space<vmem>>
        %dma_start3A_343 = arith.constant 0 : i32
        %dma_start3A_344 = arith.constant 0 : i32
        %dma_start3A_345 = tpu.memref_slice %arg24[%dma_start3A_343, %dma_start3A_344] : memref<10112x16xf32, #tpu.memory_space<vmem_shared>> -> memref<10112x16xf32, #tpu.memory_space<vmem_shared>>
        tpu.enqueue_indirect_dma source(%arg15 : memref<128x16xf32, #tpu.memory_space<vmem>>) target(%dma_start3A_345 : memref<10112x16xf32, #tpu.memory_space<vmem_shared>>) offsets(%dma_start3A_342 : memref<128xi32, #tpu.memory_space<vmem>>) semaphore(%run_scoped3A : memref<!tpu.dma_semaphore, #tpu.memory_space<semaphore_mem>>) {add = true}
        %dma_wait3A_346 = arith.constant 0 : i32
        %dma_wait3A_347 = tpu.memref_slice %arg10[%add3A_283, %dma_wait3A_346] : memref<160x128xi32, #tpu.memory_space<vmem>> -> memref<1x128xi32, #tpu.memory_space<vmem>>
        %dma_wait3A_348 = tpu.memref_squeeze %dma_wait3A_347 : memref<1x128xi32, #tpu.memory_space<vmem>> -> memref<128xi32, #tpu.memory_space<vmem>>
        %dma_wait3A_349 = arith.constant 0 : i32
        %dma_wait3A_350 = arith.constant 0 : i32
        %dma_wait3A_351 = tpu.memref_slice %arg24[%dma_wait3A_349, %dma_wait3A_350] : memref<10112x16xf32, #tpu.memory_space<vmem_shared>> -> memref<10112x16xf32, #tpu.memory_space<vmem_shared>>
        tpu.wait_indirect_dma semaphore(%run_scoped3A : memref<!tpu.dma_semaphore, #tpu.memory_space<semaphore_mem>>) src(%arg15 : memref<128x16xf32, #tpu.memory_space<vmem>>) dst(%dma_wait3A_351 : memref<10112x16xf32, #tpu.memory_space<vmem_shared>>)
        tpu.yield
      }) : () -> ()
      %lt3A_290 = arith.constant 152 : i32
      %lt3A_291 = arith.cmpi slt, %add3A_283, %lt3A_290 : i32
      %convert_element_type3A_292 = arith.extui %lt3A_291 : i1 to i32
      %cond3A_293 = arith.constant 0 : i32
      %cond3A_294 = arith.cmpi ne, %convert_element_type3A_292, %cond3A_293 : i32
      scf.if %cond3A_294 {
        %add3A_340 = arith.constant 8 : i32
        %add3A_341 = arith.addi %add3A_283, %add3A_340 : i32
        %dma_start3A_342 = arith.constant 0 : i32
        %dma_start3A_343 = tpu.memref_slice %arg9[%add3A_341, %dma_start3A_342] : memref<160x128xi32, #tpu.memory_space<vmem>> -> memref<1x128xi32, #tpu.memory_space<vmem>>
        %dma_start3A_344 = tpu.memref_squeeze %dma_start3A_343 : memref<1x128xi32, #tpu.memory_space<vmem>> -> memref<128xi32, #tpu.memory_space<vmem>>
        %dma_start3A_345 = arith.constant 0 : i32
        %dma_start3A_346 = arith.constant 0 : i32
        %dma_start3A_347 = tpu.memref_slice %arg23[%dma_start3A_345, %dma_start3A_346] : memref<10112x16xf32, #tpu.memory_space<vmem_shared>> -> memref<10112x16xf32, #tpu.memory_space<vmem_shared>>
        tpu.enqueue_indirect_dma source(%dma_start3A_347 : memref<10112x16xf32, #tpu.memory_space<vmem_shared>>) target(%arg15 : memref<128x16xf32, #tpu.memory_space<vmem>>) offsets(%dma_start3A_344 : memref<128xi32, #tpu.memory_space<vmem>>) semaphore(%arg29 : memref<!tpu.dma_semaphore, #tpu.memory_space<semaphore_mem>>)
      } else {
      }
      %mul3A_295 = arith.constant 8 : i32
      %mul3A_296 = arith.muli %scan3A_224, %mul3A_295 : i32
      %add3A_297 = arith.constant 5 : i32
      %add3A_298 = arith.addi %mul3A_296, %add3A_297 : i32
      %dma_wait3A_299 = arith.constant 0 : i32
      %dma_wait3A_300 = tpu.memref_slice %arg9[%add3A_298, %dma_wait3A_299] : memref<160x128xi32, #tpu.memory_space<vmem>> -> memref<1x128xi32, #tpu.memory_space<vmem>>
      %dma_wait3A_301 = tpu.memref_squeeze %dma_wait3A_300 : memref<1x128xi32, #tpu.memory_space<vmem>> -> memref<128xi32, #tpu.memory_space<vmem>>
      %dma_wait3A_302 = arith.constant 0 : i32
      %dma_wait3A_303 = arith.constant 0 : i32
      %dma_wait3A_304 = tpu.memref_slice %arg23[%dma_wait3A_302, %dma_wait3A_303] : memref<10112x16xf32, #tpu.memory_space<vmem_shared>> -> memref<10112x16xf32, #tpu.memory_space<vmem_shared>>
      tpu.wait_indirect_dma semaphore(%arg30 : memref<!tpu.dma_semaphore, #tpu.memory_space<semaphore_mem>>) src(%dma_wait3A_304 : memref<10112x16xf32, #tpu.memory_space<vmem_shared>>) dst(%arg16 : memref<128x16xf32, #tpu.memory_space<vmem>>)
      "tpu.region"() ({
        %run_scoped3A = tpu.sem_alloc : memref<!tpu.dma_semaphore, #tpu.memory_space<semaphore_mem>>
        %dma_start3A_340 = arith.constant 0 : i32
        %dma_start3A_341 = tpu.memref_slice %arg10[%add3A_298, %dma_start3A_340] : memref<160x128xi32, #tpu.memory_space<vmem>> -> memref<1x128xi32, #tpu.memory_space<vmem>>
        %dma_start3A_342 = tpu.memref_squeeze %dma_start3A_341 : memref<1x128xi32, #tpu.memory_space<vmem>> -> memref<128xi32, #tpu.memory_space<vmem>>
        %dma_start3A_343 = arith.constant 0 : i32
        %dma_start3A_344 = arith.constant 0 : i32
        %dma_start3A_345 = tpu.memref_slice %arg24[%dma_start3A_343, %dma_start3A_344] : memref<10112x16xf32, #tpu.memory_space<vmem_shared>> -> memref<10112x16xf32, #tpu.memory_space<vmem_shared>>
        tpu.enqueue_indirect_dma source(%arg16 : memref<128x16xf32, #tpu.memory_space<vmem>>) target(%dma_start3A_345 : memref<10112x16xf32, #tpu.memory_space<vmem_shared>>) offsets(%dma_start3A_342 : memref<128xi32, #tpu.memory_space<vmem>>) semaphore(%run_scoped3A : memref<!tpu.dma_semaphore, #tpu.memory_space<semaphore_mem>>) {add = true}
        %dma_wait3A_346 = arith.constant 0 : i32
        %dma_wait3A_347 = tpu.memref_slice %arg10[%add3A_298, %dma_wait3A_346] : memref<160x128xi32, #tpu.memory_space<vmem>> -> memref<1x128xi32, #tpu.memory_space<vmem>>
        %dma_wait3A_348 = tpu.memref_squeeze %dma_wait3A_347 : memref<1x128xi32, #tpu.memory_space<vmem>> -> memref<128xi32, #tpu.memory_space<vmem>>
        %dma_wait3A_349 = arith.constant 0 : i32
        %dma_wait3A_350 = arith.constant 0 : i32
        %dma_wait3A_351 = tpu.memref_slice %arg24[%dma_wait3A_349, %dma_wait3A_350] : memref<10112x16xf32, #tpu.memory_space<vmem_shared>> -> memref<10112x16xf32, #tpu.memory_space<vmem_shared>>
        tpu.wait_indirect_dma semaphore(%run_scoped3A : memref<!tpu.dma_semaphore, #tpu.memory_space<semaphore_mem>>) src(%arg16 : memref<128x16xf32, #tpu.memory_space<vmem>>) dst(%dma_wait3A_351 : memref<10112x16xf32, #tpu.memory_space<vmem_shared>>)
        tpu.yield
      }) : () -> ()
      %lt3A_305 = arith.constant 152 : i32
      %lt3A_306 = arith.cmpi slt, %add3A_298, %lt3A_305 : i32
      %convert_element_type3A_307 = arith.extui %lt3A_306 : i1 to i32
      %cond3A_308 = arith.constant 0 : i32
      %cond3A_309 = arith.cmpi ne, %convert_element_type3A_307, %cond3A_308 : i32
      scf.if %cond3A_309 {
        %add3A_340 = arith.constant 8 : i32
        %add3A_341 = arith.addi %add3A_298, %add3A_340 : i32
        %dma_start3A_342 = arith.constant 0 : i32
        %dma_start3A_343 = tpu.memref_slice %arg9[%add3A_341, %dma_start3A_342] : memref<160x128xi32, #tpu.memory_space<vmem>> -> memref<1x128xi32, #tpu.memory_space<vmem>>
        %dma_start3A_344 = tpu.memref_squeeze %dma_start3A_343 : memref<1x128xi32, #tpu.memory_space<vmem>> -> memref<128xi32, #tpu.memory_space<vmem>>
        %dma_start3A_345 = arith.constant 0 : i32
        %dma_start3A_346 = arith.constant 0 : i32
        %dma_start3A_347 = tpu.memref_slice %arg23[%dma_start3A_345, %dma_start3A_346] : memref<10112x16xf32, #tpu.memory_space<vmem_shared>> -> memref<10112x16xf32, #tpu.memory_space<vmem_shared>>
        tpu.enqueue_indirect_dma source(%dma_start3A_347 : memref<10112x16xf32, #tpu.memory_space<vmem_shared>>) target(%arg16 : memref<128x16xf32, #tpu.memory_space<vmem>>) offsets(%dma_start3A_344 : memref<128xi32, #tpu.memory_space<vmem>>) semaphore(%arg30 : memref<!tpu.dma_semaphore, #tpu.memory_space<semaphore_mem>>)
      } else {
      }
      %mul3A_310 = arith.constant 8 : i32
      %mul3A_311 = arith.muli %scan3A_224, %mul3A_310 : i32
      %add3A_312 = arith.constant 6 : i32
      %add3A_313 = arith.addi %mul3A_311, %add3A_312 : i32
      %dma_wait3A_314 = arith.constant 0 : i32
      %dma_wait3A_315 = tpu.memref_slice %arg9[%add3A_313, %dma_wait3A_314] : memref<160x128xi32, #tpu.memory_space<vmem>> -> memref<1x128xi32, #tpu.memory_space<vmem>>
      %dma_wait3A_316 = tpu.memref_squeeze %dma_wait3A_315 : memref<1x128xi32, #tpu.memory_space<vmem>> -> memref<128xi32, #tpu.memory_space<vmem>>
      %dma_wait3A_317 = arith.constant 0 : i32
      %dma_wait3A_318 = arith.constant 0 : i32
      %dma_wait3A_319 = tpu.memref_slice %arg23[%dma_wait3A_317, %dma_wait3A_318] : memref<10112x16xf32, #tpu.memory_space<vmem_shared>> -> memref<10112x16xf32, #tpu.memory_space<vmem_shared>>
      tpu.wait_indirect_dma semaphore(%arg31 : memref<!tpu.dma_semaphore, #tpu.memory_space<semaphore_mem>>) src(%dma_wait3A_319 : memref<10112x16xf32, #tpu.memory_space<vmem_shared>>) dst(%arg17 : memref<128x16xf32, #tpu.memory_space<vmem>>)
      "tpu.region"() ({
        %run_scoped3A = tpu.sem_alloc : memref<!tpu.dma_semaphore, #tpu.memory_space<semaphore_mem>>
        %dma_start3A_340 = arith.constant 0 : i32
        %dma_start3A_341 = tpu.memref_slice %arg10[%add3A_313, %dma_start3A_340] : memref<160x128xi32, #tpu.memory_space<vmem>> -> memref<1x128xi32, #tpu.memory_space<vmem>>
        %dma_start3A_342 = tpu.memref_squeeze %dma_start3A_341 : memref<1x128xi32, #tpu.memory_space<vmem>> -> memref<128xi32, #tpu.memory_space<vmem>>
        %dma_start3A_343 = arith.constant 0 : i32
        %dma_start3A_344 = arith.constant 0 : i32
        %dma_start3A_345 = tpu.memref_slice %arg24[%dma_start3A_343, %dma_start3A_344] : memref<10112x16xf32, #tpu.memory_space<vmem_shared>> -> memref<10112x16xf32, #tpu.memory_space<vmem_shared>>
        tpu.enqueue_indirect_dma source(%arg17 : memref<128x16xf32, #tpu.memory_space<vmem>>) target(%dma_start3A_345 : memref<10112x16xf32, #tpu.memory_space<vmem_shared>>) offsets(%dma_start3A_342 : memref<128xi32, #tpu.memory_space<vmem>>) semaphore(%run_scoped3A : memref<!tpu.dma_semaphore, #tpu.memory_space<semaphore_mem>>) {add = true}
        %dma_wait3A_346 = arith.constant 0 : i32
        %dma_wait3A_347 = tpu.memref_slice %arg10[%add3A_313, %dma_wait3A_346] : memref<160x128xi32, #tpu.memory_space<vmem>> -> memref<1x128xi32, #tpu.memory_space<vmem>>
        %dma_wait3A_348 = tpu.memref_squeeze %dma_wait3A_347 : memref<1x128xi32, #tpu.memory_space<vmem>> -> memref<128xi32, #tpu.memory_space<vmem>>
        %dma_wait3A_349 = arith.constant 0 : i32
        %dma_wait3A_350 = arith.constant 0 : i32
        %dma_wait3A_351 = tpu.memref_slice %arg24[%dma_wait3A_349, %dma_wait3A_350] : memref<10112x16xf32, #tpu.memory_space<vmem_shared>> -> memref<10112x16xf32, #tpu.memory_space<vmem_shared>>
        tpu.wait_indirect_dma semaphore(%run_scoped3A : memref<!tpu.dma_semaphore, #tpu.memory_space<semaphore_mem>>) src(%arg17 : memref<128x16xf32, #tpu.memory_space<vmem>>) dst(%dma_wait3A_351 : memref<10112x16xf32, #tpu.memory_space<vmem_shared>>)
        tpu.yield
      }) : () -> ()
      %lt3A_320 = arith.constant 152 : i32
      %lt3A_321 = arith.cmpi slt, %add3A_313, %lt3A_320 : i32
      %convert_element_type3A_322 = arith.extui %lt3A_321 : i1 to i32
      %cond3A_323 = arith.constant 0 : i32
      %cond3A_324 = arith.cmpi ne, %convert_element_type3A_322, %cond3A_323 : i32
      scf.if %cond3A_324 {
        %add3A_340 = arith.constant 8 : i32
        %add3A_341 = arith.addi %add3A_313, %add3A_340 : i32
        %dma_start3A_342 = arith.constant 0 : i32
        %dma_start3A_343 = tpu.memref_slice %arg9[%add3A_341, %dma_start3A_342] : memref<160x128xi32, #tpu.memory_space<vmem>> -> memref<1x128xi32, #tpu.memory_space<vmem>>
        %dma_start3A_344 = tpu.memref_squeeze %dma_start3A_343 : memref<1x128xi32, #tpu.memory_space<vmem>> -> memref<128xi32, #tpu.memory_space<vmem>>
        %dma_start3A_345 = arith.constant 0 : i32
        %dma_start3A_346 = arith.constant 0 : i32
        %dma_start3A_347 = tpu.memref_slice %arg23[%dma_start3A_345, %dma_start3A_346] : memref<10112x16xf32, #tpu.memory_space<vmem_shared>> -> memref<10112x16xf32, #tpu.memory_space<vmem_shared>>
        tpu.enqueue_indirect_dma source(%dma_start3A_347 : memref<10112x16xf32, #tpu.memory_space<vmem_shared>>) target(%arg17 : memref<128x16xf32, #tpu.memory_space<vmem>>) offsets(%dma_start3A_344 : memref<128xi32, #tpu.memory_space<vmem>>) semaphore(%arg31 : memref<!tpu.dma_semaphore, #tpu.memory_space<semaphore_mem>>)
      } else {
      }
      %mul3A_325 = arith.constant 8 : i32
      %mul3A_326 = arith.muli %scan3A_224, %mul3A_325 : i32
      %add3A_327 = arith.constant 7 : i32
      %add3A_328 = arith.addi %mul3A_326, %add3A_327 : i32
      %dma_wait3A_329 = arith.constant 0 : i32
      %dma_wait3A_330 = tpu.memref_slice %arg9[%add3A_328, %dma_wait3A_329] : memref<160x128xi32, #tpu.memory_space<vmem>> -> memref<1x128xi32, #tpu.memory_space<vmem>>
      %dma_wait3A_331 = tpu.memref_squeeze %dma_wait3A_330 : memref<1x128xi32, #tpu.memory_space<vmem>> -> memref<128xi32, #tpu.memory_space<vmem>>
      %dma_wait3A_332 = arith.constant 0 : i32
      %dma_wait3A_333 = arith.constant 0 : i32
      %dma_wait3A_334 = tpu.memref_slice %arg23[%dma_wait3A_332, %dma_wait3A_333] : memref<10112x16xf32, #tpu.memory_space<vmem_shared>> -> memref<10112x16xf32, #tpu.memory_space<vmem_shared>>
      tpu.wait_indirect_dma semaphore(%arg32 : memref<!tpu.dma_semaphore, #tpu.memory_space<semaphore_mem>>) src(%dma_wait3A_334 : memref<10112x16xf32, #tpu.memory_space<vmem_shared>>) dst(%arg18 : memref<128x16xf32, #tpu.memory_space<vmem>>)
      "tpu.region"() ({
        %run_scoped3A = tpu.sem_alloc : memref<!tpu.dma_semaphore, #tpu.memory_space<semaphore_mem>>
        %dma_start3A_340 = arith.constant 0 : i32
        %dma_start3A_341 = tpu.memref_slice %arg10[%add3A_328, %dma_start3A_340] : memref<160x128xi32, #tpu.memory_space<vmem>> -> memref<1x128xi32, #tpu.memory_space<vmem>>
        %dma_start3A_342 = tpu.memref_squeeze %dma_start3A_341 : memref<1x128xi32, #tpu.memory_space<vmem>> -> memref<128xi32, #tpu.memory_space<vmem>>
        %dma_start3A_343 = arith.constant 0 : i32
        %dma_start3A_344 = arith.constant 0 : i32
        %dma_start3A_345 = tpu.memref_slice %arg24[%dma_start3A_343, %dma_start3A_344] : memref<10112x16xf32, #tpu.memory_space<vmem_shared>> -> memref<10112x16xf32, #tpu.memory_space<vmem_shared>>
        tpu.enqueue_indirect_dma source(%arg18 : memref<128x16xf32, #tpu.memory_space<vmem>>) target(%dma_start3A_345 : memref<10112x16xf32, #tpu.memory_space<vmem_shared>>) offsets(%dma_start3A_342 : memref<128xi32, #tpu.memory_space<vmem>>) semaphore(%run_scoped3A : memref<!tpu.dma_semaphore, #tpu.memory_space<semaphore_mem>>) {add = true}
        %dma_wait3A_346 = arith.constant 0 : i32
        %dma_wait3A_347 = tpu.memref_slice %arg10[%add3A_328, %dma_wait3A_346] : memref<160x128xi32, #tpu.memory_space<vmem>> -> memref<1x128xi32, #tpu.memory_space<vmem>>
        %dma_wait3A_348 = tpu.memref_squeeze %dma_wait3A_347 : memref<1x128xi32, #tpu.memory_space<vmem>> -> memref<128xi32, #tpu.memory_space<vmem>>
        %dma_wait3A_349 = arith.constant 0 : i32
        %dma_wait3A_350 = arith.constant 0 : i32
        %dma_wait3A_351 = tpu.memref_slice %arg24[%dma_wait3A_349, %dma_wait3A_350] : memref<10112x16xf32, #tpu.memory_space<vmem_shared>> -> memref<10112x16xf32, #tpu.memory_space<vmem_shared>>
        tpu.wait_indirect_dma semaphore(%run_scoped3A : memref<!tpu.dma_semaphore, #tpu.memory_space<semaphore_mem>>) src(%arg18 : memref<128x16xf32, #tpu.memory_space<vmem>>) dst(%dma_wait3A_351 : memref<10112x16xf32, #tpu.memory_space<vmem_shared>>)
        tpu.yield
      }) : () -> ()
      %lt3A_335 = arith.constant 152 : i32
      %lt3A_336 = arith.cmpi slt, %add3A_328, %lt3A_335 : i32
      %convert_element_type3A_337 = arith.extui %lt3A_336 : i1 to i32
      %cond3A_338 = arith.constant 0 : i32
      %cond3A_339 = arith.cmpi ne, %convert_element_type3A_337, %cond3A_338 : i32
      scf.if %cond3A_339 {
        %add3A_340 = arith.constant 8 : i32
        %add3A_341 = arith.addi %add3A_328, %add3A_340 : i32
        %dma_start3A_342 = arith.constant 0 : i32
        %dma_start3A_343 = tpu.memref_slice %arg9[%add3A_341, %dma_start3A_342] : memref<160x128xi32, #tpu.memory_space<vmem>> -> memref<1x128xi32, #tpu.memory_space<vmem>>
        %dma_start3A_344 = tpu.memref_squeeze %dma_start3A_343 : memref<1x128xi32, #tpu.memory_space<vmem>> -> memref<128xi32, #tpu.memory_space<vmem>>
        %dma_start3A_345 = arith.constant 0 : i32
        %dma_start3A_346 = arith.constant 0 : i32
        %dma_start3A_347 = tpu.memref_slice %arg23[%dma_start3A_345, %dma_start3A_346] : memref<10112x16xf32, #tpu.memory_space<vmem_shared>> -> memref<10112x16xf32, #tpu.memory_space<vmem_shared>>
        tpu.enqueue_indirect_dma source(%dma_start3A_347 : memref<10112x16xf32, #tpu.memory_space<vmem_shared>>) target(%arg18 : memref<128x16xf32, #tpu.memory_space<vmem>>) offsets(%dma_start3A_344 : memref<128xi32, #tpu.memory_space<vmem>>) semaphore(%arg32 : memref<!tpu.dma_semaphore, #tpu.memory_space<semaphore_mem>>)
      } else {
      }
    }
    %scan3A_59 = arith.constant 20 : i32
    %barrier3A_60 = arith.constant 0 : index
    tpu.barrier barrier_id(%barrier3A_60)
    "tpu.region"() ({
      %run_scoped3A = tpu.sem_alloc : memref<!tpu.dma_semaphore, #tpu.memory_space<semaphore_mem>>
      %dma_start3A_224 = arith.constant 0 : i32
      %dma_start3A_225 = tpu.memref_slice %arg24[%mul3A_0, %dma_start3A_224] : memref<10112x16xf32, #tpu.memory_space<vmem_shared>> -> memref<632x16xf32, #tpu.memory_space<vmem_shared>>
      %dma_start3A_226 = arith.constant 0 : i32
      %dma_start3A_227 = tpu.memref_slice %arg24[%mul3A_0, %dma_start3A_226] : memref<10112x16xf32, #tpu.memory_space<vmem_shared>> -> memref<632x16xf32, #tpu.memory_space<vmem_shared>>
      tpu.enqueue_dma source(%dma_start3A_227 : memref<632x16xf32, #tpu.memory_space<vmem_shared>>) target(%arg19 : memref<632x16xf32, #tpu.memory_space<vmem>>) target_semaphore(%run_scoped3A : memref<!tpu.dma_semaphore, #tpu.memory_space<semaphore_mem>>)
      %dma_wait3A = arith.constant 0 : i32
      %dma_wait3A_228 = tpu.memref_slice %arg24[%mul3A_0, %dma_wait3A] : memref<10112x16xf32, #tpu.memory_space<vmem_shared>> -> memref<632x16xf32, #tpu.memory_space<vmem_shared>>
      %dma_wait3A_229 = arith.constant 0 : i32
      %dma_wait3A_230 = tpu.memref_slice %arg24[%mul3A_0, %dma_wait3A_229] : memref<10112x16xf32, #tpu.memory_space<vmem_shared>> -> memref<632x16xf32, #tpu.memory_space<vmem_shared>>
      tpu.wait_dma2 semaphore(%run_scoped3A : memref<!tpu.dma_semaphore, #tpu.memory_space<semaphore_mem>>) src(%dma_wait3A_230 : memref<632x16xf32, #tpu.memory_space<vmem_shared>>) dst(%arg19 : memref<632x16xf32, #tpu.memory_space<vmem>>)
      tpu.yield
    }) : () -> ()
    "tpu.region"() ({
      %run_scoped3A = tpu.sem_alloc : memref<!tpu.dma_semaphore, #tpu.memory_space<semaphore_mem>>
      %dma_start3A_224 = arith.constant 0 : i32
      %dma_start3A_225 = tpu.memref_slice %arg23[%mul3A_0, %dma_start3A_224] : memref<10112x16xf32, #tpu.memory_space<vmem_shared>> -> memref<632x16xf32, #tpu.memory_space<vmem_shared>>
      %dma_start3A_226 = arith.constant 0 : i32
      %dma_start3A_227 = tpu.memref_slice %arg23[%mul3A_0, %dma_start3A_226] : memref<10112x16xf32, #tpu.memory_space<vmem_shared>> -> memref<632x16xf32, #tpu.memory_space<vmem_shared>>
      tpu.enqueue_dma source(%dma_start3A_227 : memref<632x16xf32, #tpu.memory_space<vmem_shared>>) target(%arg20 : memref<632x16xf32, #tpu.memory_space<vmem>>) target_semaphore(%run_scoped3A : memref<!tpu.dma_semaphore, #tpu.memory_space<semaphore_mem>>)
      %dma_wait3A = arith.constant 0 : i32
      %dma_wait3A_228 = tpu.memref_slice %arg23[%mul3A_0, %dma_wait3A] : memref<10112x16xf32, #tpu.memory_space<vmem_shared>> -> memref<632x16xf32, #tpu.memory_space<vmem_shared>>
      %dma_wait3A_229 = arith.constant 0 : i32
      %dma_wait3A_230 = tpu.memref_slice %arg23[%mul3A_0, %dma_wait3A_229] : memref<10112x16xf32, #tpu.memory_space<vmem_shared>> -> memref<632x16xf32, #tpu.memory_space<vmem_shared>>
      tpu.wait_dma2 semaphore(%run_scoped3A : memref<!tpu.dma_semaphore, #tpu.memory_space<semaphore_mem>>) src(%dma_wait3A_230 : memref<632x16xf32, #tpu.memory_space<vmem_shared>>) dst(%arg20 : memref<632x16xf32, #tpu.memory_space<vmem>>)
      tpu.yield
    }) : () -> ()
    %get3A = arith.constant 0 : i32
    %get3A_61 = arith.index_cast %get3A : i32 to index
    %get3A_62 = arith.constant 0 : index
    %get3A_63 = tpu.vector_load %arg21[%get3A_61, %get3A_62] {strides = array<i32>} : memref<8x16xf32, #tpu.memory_space<vmem>>, vector<1x16xf32>,
    %get3A_64 = vector.shape_cast %get3A_63 : vector<1x16xf32> to vector<16xf32>
    %get3A_65 = arith.constant 1 : i32
    %get3A_66 = arith.index_cast %get3A_65 : i32 to index
    %get3A_67 = arith.constant 0 : index
    %get3A_68 = tpu.vector_load %arg21[%get3A_66, %get3A_67] {strides = array<i32>} : memref<8x16xf32, #tpu.memory_space<vmem>>, vector<1x16xf32>,
    %get3A_69 = vector.shape_cast %get3A_68 : vector<1x16xf32> to vector<16xf32>
    %get3A_70 = arith.constant 2 : i32
    %get3A_71 = arith.index_cast %get3A_70 : i32 to index
    %get3A_72 = arith.constant 0 : index
    %get3A_73 = tpu.vector_load %arg21[%get3A_71, %get3A_72] {strides = array<i32>} : memref<8x16xf32, #tpu.memory_space<vmem>>, vector<1x16xf32>,
    %get3A_74 = vector.shape_cast %get3A_73 : vector<1x16xf32> to vector<16xf32>
    %get3A_75 = arith.constant 3 : i32
    %get3A_76 = arith.index_cast %get3A_75 : i32 to index
    %get3A_77 = arith.constant 0 : index
    %get3A_78 = tpu.vector_load %arg21[%get3A_76, %get3A_77] {strides = array<i32>} : memref<8x16xf32, #tpu.memory_space<vmem>>, vector<1x16xf32>,
    %get3A_79 = vector.shape_cast %get3A_78 : vector<1x16xf32> to vector<16xf32>
    %get3A_80 = arith.constant 4 : i32
    %get3A_81 = arith.index_cast %get3A_80 : i32 to index
    %get3A_82 = arith.constant 0 : index
    %get3A_83 = tpu.vector_load %arg21[%get3A_81, %get3A_82] {strides = array<i32>} : memref<8x16xf32, #tpu.memory_space<vmem>>, vector<1x16xf32>,
    %get3A_84 = vector.shape_cast %get3A_83 : vector<1x16xf32> to vector<16xf32>
    %get3A_85 = arith.constant 0 : i32
    %get3A_86 = arith.index_cast %get3A_85 : i32 to index
    %get3A_87 = arith.constant 0 : index
    %get3A_88 = tpu.vector_load %arg22[%get3A_86, %get3A_87] {strides = array<i32>} : memref<8x16xi32, #tpu.memory_space<vmem>>, vector<1x16xi32>,
    %get3A_89 = vector.shape_cast %get3A_88 : vector<1x16xi32> to vector<16xi32>
    %get3A_90 = arith.constant 1 : i32
    %get3A_91 = arith.index_cast %get3A_90 : i32 to index
    %get3A_92 = arith.constant 0 : index
    %get3A_93 = tpu.vector_load %arg22[%get3A_91, %get3A_92] {strides = array<i32>} : memref<8x16xi32, #tpu.memory_space<vmem>>, vector<1x16xi32>,
    %get3A_94 = vector.shape_cast %get3A_93 : vector<1x16xi32> to vector<16xi32>
    %get3A_95 = arith.constant 2 : i32
    %get3A_96 = arith.index_cast %get3A_95 : i32 to index
    %get3A_97 = arith.constant 0 : index
    %get3A_98 = tpu.vector_load %arg22[%get3A_96, %get3A_97] {strides = array<i32>} : memref<8x16xi32, #tpu.memory_space<vmem>>, vector<1x16xi32>,
    %get3A_99 = vector.shape_cast %get3A_98 : vector<1x16xi32> to vector<16xi32>
    %get3A_100 = arith.constant 3 : i32
    %get3A_101 = arith.index_cast %get3A_100 : i32 to index
    %get3A_102 = arith.constant 0 : index
    %get3A_103 = tpu.vector_load %arg22[%get3A_101, %get3A_102] {strides = array<i32>} : memref<8x16xi32, #tpu.memory_space<vmem>>, vector<1x16xi32>,
    %get3A_104 = vector.shape_cast %get3A_103 : vector<1x16xi32> to vector<16xi32>
    %scan3A_105 = arith.constant 0 : i32
    %scan3A_106 = arith.constant 632 : i32
    %scan3A_107 = arith.addi %scan3A_105, %scan3A_106 : i32
    %scan3A_108 = arith.constant 1 : i32
    scf.for %scan3A_224 = %scan3A_105 to %scan3A_107 step %scan3A_108  : i32 {
      %get3A_225 = arith.index_cast %scan3A_224 : i32 to index
      %get3A_226 = arith.constant 0 : index
      %get3A_227 = tpu.vector_load %arg19[%get3A_225, %get3A_226] {strides = array<i32>} : memref<632x16xf32, #tpu.memory_space<vmem>>, vector<1x16xf32>,
      %get3A_228 = vector.shape_cast %get3A_227 : vector<1x16xf32> to vector<16xf32>
      %reshape3A = vector.shape_cast %get3A_89 : vector<16xi32> to vector<16x1xi32>
      %gather3A = vector.shape_cast %reshape3A : vector<16x1xi32> to vector<16xi32>
      %gather3A_229 = tpu.dynamic_gather %get3A_228[%gather3A] in [0] : vector<16xf32>, vector<16xi32> -> vector<16xf32>
      %reshape3A_230 = vector.shape_cast %get3A_94 : vector<16xi32> to vector<16x1xi32>
      %gather3A_231 = vector.shape_cast %reshape3A_230 : vector<16x1xi32> to vector<16xi32>
      %gather3A_232 = tpu.dynamic_gather %get3A_228[%gather3A_231] in [0] : vector<16xf32>, vector<16xi32> -> vector<16xf32>
      %reshape3A_233 = vector.shape_cast %get3A_99 : vector<16xi32> to vector<16x1xi32>
      %gather3A_234 = vector.shape_cast %reshape3A_233 : vector<16x1xi32> to vector<16xi32>
      %gather3A_235 = tpu.dynamic_gather %get3A_228[%gather3A_234] in [0] : vector<16xf32>, vector<16xi32> -> vector<16xf32>
      %reshape3A_236 = vector.shape_cast %get3A_104 : vector<16xi32> to vector<16x1xi32>
      %gather3A_237 = vector.shape_cast %reshape3A_236 : vector<16x1xi32> to vector<16xi32>
      %gather3A_238 = tpu.dynamic_gather %get3A_228[%gather3A_237] in [0] : vector<16xf32>, vector<16xi32> -> vector<16xf32>
      %max3A = arith.constant 1.000000e+00 : f32
      %max3A_239 = vector.broadcast %max3A : f32 to vector<16xf32>
      %max3A_240 = arith.maximumf %gather3A_238, %max3A_239 : vector<16xf32>
      %div3A = arith.constant 1.000000e+00 : f32
      %div3A_241 = vector.broadcast %div3A : f32 to vector<16xf32>
      %div3A_242 = arith.divf %div3A_241, %max3A_240 : vector<16xf32>
      %mul3A_243 = arith.mulf %gather3A_229, %get3A_64 : vector<16xf32>
      %mul3A_244 = arith.mulf %gather3A_232, %get3A_69 : vector<16xf32>
      %add3A = arith.addf %mul3A_243, %mul3A_244 : vector<16xf32>
      %mul3A_245 = arith.mulf %gather3A_235, %get3A_74 : vector<16xf32>
      %add3A_246 = arith.addf %add3A, %mul3A_245 : vector<16xf32>
      %mul3A_247 = arith.mulf %gather3A_238, %get3A_79 : vector<16xf32>
      %add3A_248 = arith.addf %add3A_246, %mul3A_247 : vector<16xf32>
      %get3A_249 = arith.index_cast %scan3A_224 : i32 to index
      %get3A_250 = arith.constant 0 : index
      %get3A_251 = tpu.vector_load %arg20[%get3A_249, %get3A_250] {strides = array<i32>} : memref<632x16xf32, #tpu.memory_space<vmem>>, vector<1x16xf32>,
      %get3A_252 = vector.shape_cast %get3A_251 : vector<1x16xf32> to vector<16xf32>
      %mul3A_253 = arith.mulf %div3A_242, %add3A_248 : vector<16xf32>
      %add3A_254 = arith.addf %get3A_252, %mul3A_253 : vector<16xf32>
      %add3A_255 = arith.addf %add3A_254, %get3A_84 : vector<16xf32>
      %swap3A = arith.index_cast %scan3A_224 : i32 to index
      %swap3A_256 = arith.constant 0 : index
      %swap3A_257 = tpu.vector_load %arg20[%swap3A, %swap3A_256] {strides = array<i32>} : memref<632x16xf32, #tpu.memory_space<vmem>>, vector<1x16xf32>,
      %swap3A_258 = vector.shape_cast %swap3A_257 : vector<1x16xf32> to vector<16xf32>
      %swap3A_259 = vector.shape_cast %add3A_255 : vector<16xf32> to vector<1x16xf32>
      tpu.vector_store %arg20[%swap3A, %swap3A_256], %swap3A_259 {strides = array<i32>} : memref<632x16xf32, #tpu.memory_space<vmem>>, vector<1x16xf32>,
    }
    %scan3A_109 = arith.constant 632 : i32
    "tpu.region"() ({
      %run_scoped3A = tpu.sem_alloc : memref<!tpu.dma_semaphore, #tpu.memory_space<semaphore_mem>>
      %dma_start3A_224 = arith.constant 0 : i32
      %dma_start3A_225 = tpu.memref_slice %arg23[%mul3A_0, %dma_start3A_224] : memref<10112x16xf32, #tpu.memory_space<vmem_shared>> -> memref<632x16xf32, #tpu.memory_space<vmem_shared>>
      %dma_start3A_226 = arith.constant 0 : i32
      %dma_start3A_227 = tpu.memref_slice %arg23[%mul3A_0, %dma_start3A_226] : memref<10112x16xf32, #tpu.memory_space<vmem_shared>> -> memref<632x16xf32, #tpu.memory_space<vmem_shared>>
      tpu.enqueue_dma source(%arg20 : memref<632x16xf32, #tpu.memory_space<vmem>>) target(%dma_start3A_227 : memref<632x16xf32, #tpu.memory_space<vmem_shared>>) target_semaphore(%run_scoped3A : memref<!tpu.dma_semaphore, #tpu.memory_space<semaphore_mem>>)
      %dma_wait3A = arith.constant 0 : i32
      %dma_wait3A_228 = tpu.memref_slice %arg23[%mul3A_0, %dma_wait3A] : memref<10112x16xf32, #tpu.memory_space<vmem_shared>> -> memref<632x16xf32, #tpu.memory_space<vmem_shared>>
      %dma_wait3A_229 = arith.constant 0 : i32
      %dma_wait3A_230 = tpu.memref_slice %arg23[%mul3A_0, %dma_wait3A_229] : memref<10112x16xf32, #tpu.memory_space<vmem_shared>> -> memref<632x16xf32, #tpu.memory_space<vmem_shared>>
      tpu.wait_dma2 semaphore(%run_scoped3A : memref<!tpu.dma_semaphore, #tpu.memory_space<semaphore_mem>>) src(%arg20 : memref<632x16xf32, #tpu.memory_space<vmem>>) dst(%dma_wait3A_230 : memref<632x16xf32, #tpu.memory_space<vmem_shared>>)
      tpu.yield
    }) : () -> ()
    %barrier3A_110 = arith.constant 0 : index
    tpu.barrier barrier_id(%barrier3A_110)
    "tpu.region"() ({
      %run_scoped3A = tpu.sem_alloc : memref<!tpu.dma_semaphore, #tpu.memory_space<semaphore_mem>>
      %dma_start3A_224 = arith.constant 0 : i32
      %dma_start3A_225 = tpu.memref_slice %arg5[%mul3A_0, %dma_start3A_224] : memref<10112x16xf32, #tpu.memory_space<hbm>> -> memref<632x16xf32, #tpu.memory_space<hbm>>
      %dma_start3A_226 = arith.constant 0 : i32
      %dma_start3A_227 = tpu.memref_slice %arg5[%mul3A_0, %dma_start3A_226] : memref<10112x16xf32, #tpu.memory_space<hbm>> -> memref<632x16xf32, #tpu.memory_space<hbm>>
      tpu.enqueue_dma source(%dma_start3A_227 : memref<632x16xf32, #tpu.memory_space<hbm>>) target(%arg19 : memref<632x16xf32, #tpu.memory_space<vmem>>) target_semaphore(%run_scoped3A : memref<!tpu.dma_semaphore, #tpu.memory_space<semaphore_mem>>)
      %dma_wait3A = arith.constant 0 : i32
      %dma_wait3A_228 = tpu.memref_slice %arg5[%mul3A_0, %dma_wait3A] : memref<10112x16xf32, #tpu.memory_space<hbm>> -> memref<632x16xf32, #tpu.memory_space<hbm>>
      %dma_wait3A_229 = arith.constant 0 : i32
      %dma_wait3A_230 = tpu.memref_slice %arg5[%mul3A_0, %dma_wait3A_229] : memref<10112x16xf32, #tpu.memory_space<hbm>> -> memref<632x16xf32, #tpu.memory_space<hbm>>
      tpu.wait_dma2 semaphore(%run_scoped3A : memref<!tpu.dma_semaphore, #tpu.memory_space<semaphore_mem>>) src(%dma_wait3A_230 : memref<632x16xf32, #tpu.memory_space<hbm>>) dst(%arg19 : memref<632x16xf32, #tpu.memory_space<vmem>>)
      tpu.yield
    }) : () -> ()
    "tpu.region"() ({
      %run_scoped3A = tpu.sem_alloc : memref<!tpu.dma_semaphore, #tpu.memory_space<semaphore_mem>>
      %dma_start3A_224 = arith.constant 0 : i32
      %dma_start3A_225 = tpu.memref_slice %arg24[%mul3A_0, %dma_start3A_224] : memref<10112x16xf32, #tpu.memory_space<vmem_shared>> -> memref<632x16xf32, #tpu.memory_space<vmem_shared>>
      %dma_start3A_226 = arith.constant 0 : i32
      %dma_start3A_227 = tpu.memref_slice %arg24[%mul3A_0, %dma_start3A_226] : memref<10112x16xf32, #tpu.memory_space<vmem_shared>> -> memref<632x16xf32, #tpu.memory_space<vmem_shared>>
      tpu.enqueue_dma source(%arg19 : memref<632x16xf32, #tpu.memory_space<vmem>>) target(%dma_start3A_227 : memref<632x16xf32, #tpu.memory_space<vmem_shared>>) target_semaphore(%run_scoped3A : memref<!tpu.dma_semaphore, #tpu.memory_space<semaphore_mem>>)
      %dma_wait3A = arith.constant 0 : i32
      %dma_wait3A_228 = tpu.memref_slice %arg24[%mul3A_0, %dma_wait3A] : memref<10112x16xf32, #tpu.memory_space<vmem_shared>> -> memref<632x16xf32, #tpu.memory_space<vmem_shared>>
      %dma_wait3A_229 = arith.constant 0 : i32
      %dma_wait3A_230 = tpu.memref_slice %arg24[%mul3A_0, %dma_wait3A_229] : memref<10112x16xf32, #tpu.memory_space<vmem_shared>> -> memref<632x16xf32, #tpu.memory_space<vmem_shared>>
      tpu.wait_dma2 semaphore(%run_scoped3A : memref<!tpu.dma_semaphore, #tpu.memory_space<semaphore_mem>>) src(%arg19 : memref<632x16xf32, #tpu.memory_space<vmem>>) dst(%dma_wait3A_230 : memref<632x16xf32, #tpu.memory_space<vmem_shared>>)
      tpu.yield
    }) : () -> ()
    %barrier3A_111 = arith.constant 0 : index
    tpu.barrier barrier_id(%barrier3A_111)
    %dma_start3A_112 = arith.constant 0 : i32
    %dma_start3A_113 = arith.constant 0 : i32
    %dma_start3A_114 = tpu.memref_slice %arg9[%dma_start3A_112, %dma_start3A_113] : memref<160x128xi32, #tpu.memory_space<vmem>> -> memref<1x128xi32, #tpu.memory_space<vmem>>
    %dma_start3A_115 = tpu.memref_squeeze %dma_start3A_114 : memref<1x128xi32, #tpu.memory_space<vmem>> -> memref<128xi32, #tpu.memory_space<vmem>>
    %dma_start3A_116 = arith.constant 0 : i32
    %dma_start3A_117 = arith.constant 0 : i32
    %dma_start3A_118 = tpu.memref_slice %arg23[%dma_start3A_116, %dma_start3A_117] : memref<10112x16xf32, #tpu.memory_space<vmem_shared>> -> memref<10112x16xf32, #tpu.memory_space<vmem_shared>>
    tpu.enqueue_indirect_dma source(%dma_start3A_118 : memref<10112x16xf32, #tpu.memory_space<vmem_shared>>) target(%arg11 : memref<128x16xf32, #tpu.memory_space<vmem>>) offsets(%dma_start3A_115 : memref<128xi32, #tpu.memory_space<vmem>>) semaphore(%arg25 : memref<!tpu.dma_semaphore, #tpu.memory_space<semaphore_mem>>)
    %dma_start3A_119 = arith.constant 1 : i32
    %dma_start3A_120 = arith.constant 0 : i32
    %dma_start3A_121 = tpu.memref_slice %arg9[%dma_start3A_119, %dma_start3A_120] : memref<160x128xi32, #tpu.memory_space<vmem>> -> memref<1x128xi32, #tpu.memory_space<vmem>>
    %dma_start3A_122 = tpu.memref_squeeze %dma_start3A_121 : memref<1x128xi32, #tpu.memory_space<vmem>> -> memref<128xi32, #tpu.memory_space<vmem>>
    %dma_start3A_123 = arith.constant 0 : i32
    %dma_start3A_124 = arith.constant 0 : i32
    %dma_start3A_125 = tpu.memref_slice %arg23[%dma_start3A_123, %dma_start3A_124] : memref<10112x16xf32, #tpu.memory_space<vmem_shared>> -> memref<10112x16xf32, #tpu.memory_space<vmem_shared>>
    tpu.enqueue_indirect_dma source(%dma_start3A_125 : memref<10112x16xf32, #tpu.memory_space<vmem_shared>>) target(%arg12 : memref<128x16xf32, #tpu.memory_space<vmem>>) offsets(%dma_start3A_122 : memref<128xi32, #tpu.memory_space<vmem>>) semaphore(%arg26 : memref<!tpu.dma_semaphore, #tpu.memory_space<semaphore_mem>>)
    %dma_start3A_126 = arith.constant 2 : i32
    %dma_start3A_127 = arith.constant 0 : i32
    %dma_start3A_128 = tpu.memref_slice %arg9[%dma_start3A_126, %dma_start3A_127] : memref<160x128xi32, #tpu.memory_space<vmem>> -> memref<1x128xi32, #tpu.memory_space<vmem>>
    %dma_start3A_129 = tpu.memref_squeeze %dma_start3A_128 : memref<1x128xi32, #tpu.memory_space<vmem>> -> memref<128xi32, #tpu.memory_space<vmem>>
    %dma_start3A_130 = arith.constant 0 : i32
    %dma_start3A_131 = arith.constant 0 : i32
    %dma_start3A_132 = tpu.memref_slice %arg23[%dma_start3A_130, %dma_start3A_131] : memref<10112x16xf32, #tpu.memory_space<vmem_shared>> -> memref<10112x16xf32, #tpu.memory_space<vmem_shared>>
    tpu.enqueue_indirect_dma source(%dma_start3A_132 : memref<10112x16xf32, #tpu.memory_space<vmem_shared>>) target(%arg13 : memref<128x16xf32, #tpu.memory_space<vmem>>) offsets(%dma_start3A_129 : memref<128xi32, #tpu.memory_space<vmem>>) semaphore(%arg27 : memref<!tpu.dma_semaphore, #tpu.memory_space<semaphore_mem>>)
    %dma_start3A_133 = arith.constant 3 : i32
    %dma_start3A_134 = arith.constant 0 : i32
    %dma_start3A_135 = tpu.memref_slice %arg9[%dma_start3A_133, %dma_start3A_134] : memref<160x128xi32, #tpu.memory_space<vmem>> -> memref<1x128xi32, #tpu.memory_space<vmem>>
    %dma_start3A_136 = tpu.memref_squeeze %dma_start3A_135 : memref<1x128xi32, #tpu.memory_space<vmem>> -> memref<128xi32, #tpu.memory_space<vmem>>
    %dma_start3A_137 = arith.constant 0 : i32
    %dma_start3A_138 = arith.constant 0 : i32
    %dma_start3A_139 = tpu.memref_slice %arg23[%dma_start3A_137, %dma_start3A_138] : memref<10112x16xf32, #tpu.memory_space<vmem_shared>> -> memref<10112x16xf32, #tpu.memory_space<vmem_shared>>
    tpu.enqueue_indirect_dma source(%dma_start3A_139 : memref<10112x16xf32, #tpu.memory_space<vmem_shared>>) target(%arg14 : memref<128x16xf32, #tpu.memory_space<vmem>>) offsets(%dma_start3A_136 : memref<128xi32, #tpu.memory_space<vmem>>) semaphore(%arg28 : memref<!tpu.dma_semaphore, #tpu.memory_space<semaphore_mem>>)
    %dma_start3A_140 = arith.constant 4 : i32
    %dma_start3A_141 = arith.constant 0 : i32
    %dma_start3A_142 = tpu.memref_slice %arg9[%dma_start3A_140, %dma_start3A_141] : memref<160x128xi32, #tpu.memory_space<vmem>> -> memref<1x128xi32, #tpu.memory_space<vmem>>
    %dma_start3A_143 = tpu.memref_squeeze %dma_start3A_142 : memref<1x128xi32, #tpu.memory_space<vmem>> -> memref<128xi32, #tpu.memory_space<vmem>>
    %dma_start3A_144 = arith.constant 0 : i32
    %dma_start3A_145 = arith.constant 0 : i32
    %dma_start3A_146 = tpu.memref_slice %arg23[%dma_start3A_144, %dma_start3A_145] : memref<10112x16xf32, #tpu.memory_space<vmem_shared>> -> memref<10112x16xf32, #tpu.memory_space<vmem_shared>>
    tpu.enqueue_indirect_dma source(%dma_start3A_146 : memref<10112x16xf32, #tpu.memory_space<vmem_shared>>) target(%arg15 : memref<128x16xf32, #tpu.memory_space<vmem>>) offsets(%dma_start3A_143 : memref<128xi32, #tpu.memory_space<vmem>>) semaphore(%arg29 : memref<!tpu.dma_semaphore, #tpu.memory_space<semaphore_mem>>)
    %dma_start3A_147 = arith.constant 5 : i32
    %dma_start3A_148 = arith.constant 0 : i32
    %dma_start3A_149 = tpu.memref_slice %arg9[%dma_start3A_147, %dma_start3A_148] : memref<160x128xi32, #tpu.memory_space<vmem>> -> memref<1x128xi32, #tpu.memory_space<vmem>>
    %dma_start3A_150 = tpu.memref_squeeze %dma_start3A_149 : memref<1x128xi32, #tpu.memory_space<vmem>> -> memref<128xi32, #tpu.memory_space<vmem>>
    %dma_start3A_151 = arith.constant 0 : i32
    %dma_start3A_152 = arith.constant 0 : i32
    %dma_start3A_153 = tpu.memref_slice %arg23[%dma_start3A_151, %dma_start3A_152] : memref<10112x16xf32, #tpu.memory_space<vmem_shared>> -> memref<10112x16xf32, #tpu.memory_space<vmem_shared>>
    tpu.enqueue_indirect_dma source(%dma_start3A_153 : memref<10112x16xf32, #tpu.memory_space<vmem_shared>>) target(%arg16 : memref<128x16xf32, #tpu.memory_space<vmem>>) offsets(%dma_start3A_150 : memref<128xi32, #tpu.memory_space<vmem>>) semaphore(%arg30 : memref<!tpu.dma_semaphore, #tpu.memory_space<semaphore_mem>>)
    %dma_start3A_154 = arith.constant 6 : i32
    %dma_start3A_155 = arith.constant 0 : i32
    %dma_start3A_156 = tpu.memref_slice %arg9[%dma_start3A_154, %dma_start3A_155] : memref<160x128xi32, #tpu.memory_space<vmem>> -> memref<1x128xi32, #tpu.memory_space<vmem>>
    %dma_start3A_157 = tpu.memref_squeeze %dma_start3A_156 : memref<1x128xi32, #tpu.memory_space<vmem>> -> memref<128xi32, #tpu.memory_space<vmem>>
    %dma_start3A_158 = arith.constant 0 : i32
    %dma_start3A_159 = arith.constant 0 : i32
    %dma_start3A_160 = tpu.memref_slice %arg23[%dma_start3A_158, %dma_start3A_159] : memref<10112x16xf32, #tpu.memory_space<vmem_shared>> -> memref<10112x16xf32, #tpu.memory_space<vmem_shared>>
    tpu.enqueue_indirect_dma source(%dma_start3A_160 : memref<10112x16xf32, #tpu.memory_space<vmem_shared>>) target(%arg17 : memref<128x16xf32, #tpu.memory_space<vmem>>) offsets(%dma_start3A_157 : memref<128xi32, #tpu.memory_space<vmem>>) semaphore(%arg31 : memref<!tpu.dma_semaphore, #tpu.memory_space<semaphore_mem>>)
    %dma_start3A_161 = arith.constant 7 : i32
    %dma_start3A_162 = arith.constant 0 : i32
    %dma_start3A_163 = tpu.memref_slice %arg9[%dma_start3A_161, %dma_start3A_162] : memref<160x128xi32, #tpu.memory_space<vmem>> -> memref<1x128xi32, #tpu.memory_space<vmem>>
    %dma_start3A_164 = tpu.memref_squeeze %dma_start3A_163 : memref<1x128xi32, #tpu.memory_space<vmem>> -> memref<128xi32, #tpu.memory_space<vmem>>
    %dma_start3A_165 = arith.constant 0 : i32
    %dma_start3A_166 = arith.constant 0 : i32
    %dma_start3A_167 = tpu.memref_slice %arg23[%dma_start3A_165, %dma_start3A_166] : memref<10112x16xf32, #tpu.memory_space<vmem_shared>> -> memref<10112x16xf32, #tpu.memory_space<vmem_shared>>
    tpu.enqueue_indirect_dma source(%dma_start3A_167 : memref<10112x16xf32, #tpu.memory_space<vmem_shared>>) target(%arg18 : memref<128x16xf32, #tpu.memory_space<vmem>>) offsets(%dma_start3A_164 : memref<128xi32, #tpu.memory_space<vmem>>) semaphore(%arg32 : memref<!tpu.dma_semaphore, #tpu.memory_space<semaphore_mem>>)
    %scan3A_168 = arith.constant 0 : i32
    %scan3A_169 = arith.constant 20 : i32
    %scan3A_170 = arith.addi %scan3A_168, %scan3A_169 : i32
    %scan3A_171 = arith.constant 1 : i32
    scf.for %scan3A_224 = %scan3A_168 to %scan3A_170 step %scan3A_171  : i32 {
      %mul3A_225 = arith.constant 8 : i32
      %mul3A_226 = arith.muli %scan3A_224, %mul3A_225 : i32
      %add3A = arith.constant 0 : i32
      %add3A_227 = arith.addi %mul3A_226, %add3A : i32
      %dma_wait3A = arith.constant 0 : i32
      %dma_wait3A_228 = tpu.memref_slice %arg9[%add3A_227, %dma_wait3A] : memref<160x128xi32, #tpu.memory_space<vmem>> -> memref<1x128xi32, #tpu.memory_space<vmem>>
      %dma_wait3A_229 = tpu.memref_squeeze %dma_wait3A_228 : memref<1x128xi32, #tpu.memory_space<vmem>> -> memref<128xi32, #tpu.memory_space<vmem>>
      %dma_wait3A_230 = arith.constant 0 : i32
      %dma_wait3A_231 = arith.constant 0 : i32
      %dma_wait3A_232 = tpu.memref_slice %arg23[%dma_wait3A_230, %dma_wait3A_231] : memref<10112x16xf32, #tpu.memory_space<vmem_shared>> -> memref<10112x16xf32, #tpu.memory_space<vmem_shared>>
      tpu.wait_indirect_dma semaphore(%arg25 : memref<!tpu.dma_semaphore, #tpu.memory_space<semaphore_mem>>) src(%dma_wait3A_232 : memref<10112x16xf32, #tpu.memory_space<vmem_shared>>) dst(%arg11 : memref<128x16xf32, #tpu.memory_space<vmem>>)
      "tpu.region"() ({
        %run_scoped3A = tpu.sem_alloc : memref<!tpu.dma_semaphore, #tpu.memory_space<semaphore_mem>>
        %dma_start3A_340 = arith.constant 0 : i32
        %dma_start3A_341 = tpu.memref_slice %arg10[%add3A_227, %dma_start3A_340] : memref<160x128xi32, #tpu.memory_space<vmem>> -> memref<1x128xi32, #tpu.memory_space<vmem>>
        %dma_start3A_342 = tpu.memref_squeeze %dma_start3A_341 : memref<1x128xi32, #tpu.memory_space<vmem>> -> memref<128xi32, #tpu.memory_space<vmem>>
        %dma_start3A_343 = arith.constant 0 : i32
        %dma_start3A_344 = arith.constant 0 : i32
        %dma_start3A_345 = tpu.memref_slice %arg24[%dma_start3A_343, %dma_start3A_344] : memref<10112x16xf32, #tpu.memory_space<vmem_shared>> -> memref<10112x16xf32, #tpu.memory_space<vmem_shared>>
        tpu.enqueue_indirect_dma source(%arg11 : memref<128x16xf32, #tpu.memory_space<vmem>>) target(%dma_start3A_345 : memref<10112x16xf32, #tpu.memory_space<vmem_shared>>) offsets(%dma_start3A_342 : memref<128xi32, #tpu.memory_space<vmem>>) semaphore(%run_scoped3A : memref<!tpu.dma_semaphore, #tpu.memory_space<semaphore_mem>>) {add = true}
        %dma_wait3A_346 = arith.constant 0 : i32
        %dma_wait3A_347 = tpu.memref_slice %arg10[%add3A_227, %dma_wait3A_346] : memref<160x128xi32, #tpu.memory_space<vmem>> -> memref<1x128xi32, #tpu.memory_space<vmem>>
        %dma_wait3A_348 = tpu.memref_squeeze %dma_wait3A_347 : memref<1x128xi32, #tpu.memory_space<vmem>> -> memref<128xi32, #tpu.memory_space<vmem>>
        %dma_wait3A_349 = arith.constant 0 : i32
        %dma_wait3A_350 = arith.constant 0 : i32
        %dma_wait3A_351 = tpu.memref_slice %arg24[%dma_wait3A_349, %dma_wait3A_350] : memref<10112x16xf32, #tpu.memory_space<vmem_shared>> -> memref<10112x16xf32, #tpu.memory_space<vmem_shared>>
        tpu.wait_indirect_dma semaphore(%run_scoped3A : memref<!tpu.dma_semaphore, #tpu.memory_space<semaphore_mem>>) src(%arg11 : memref<128x16xf32, #tpu.memory_space<vmem>>) dst(%dma_wait3A_351 : memref<10112x16xf32, #tpu.memory_space<vmem_shared>>)
        tpu.yield
      }) : () -> ()
      %lt3A = arith.constant 152 : i32
      %lt3A_233 = arith.cmpi slt, %add3A_227, %lt3A : i32
      %convert_element_type3A = arith.extui %lt3A_233 : i1 to i32
      %cond3A = arith.constant 0 : i32
      %cond3A_234 = arith.cmpi ne, %convert_element_type3A, %cond3A : i32
      scf.if %cond3A_234 {
        %add3A_340 = arith.constant 8 : i32
        %add3A_341 = arith.addi %add3A_227, %add3A_340 : i32
        %dma_start3A_342 = arith.constant 0 : i32
        %dma_start3A_343 = tpu.memref_slice %arg9[%add3A_341, %dma_start3A_342] : memref<160x128xi32, #tpu.memory_space<vmem>> -> memref<1x128xi32, #tpu.memory_space<vmem>>
        %dma_start3A_344 = tpu.memref_squeeze %dma_start3A_343 : memref<1x128xi32, #tpu.memory_space<vmem>> -> memref<128xi32, #tpu.memory_space<vmem>>
        %dma_start3A_345 = arith.constant 0 : i32
        %dma_start3A_346 = arith.constant 0 : i32
        %dma_start3A_347 = tpu.memref_slice %arg23[%dma_start3A_345, %dma_start3A_346] : memref<10112x16xf32, #tpu.memory_space<vmem_shared>> -> memref<10112x16xf32, #tpu.memory_space<vmem_shared>>
        tpu.enqueue_indirect_dma source(%dma_start3A_347 : memref<10112x16xf32, #tpu.memory_space<vmem_shared>>) target(%arg11 : memref<128x16xf32, #tpu.memory_space<vmem>>) offsets(%dma_start3A_344 : memref<128xi32, #tpu.memory_space<vmem>>) semaphore(%arg25 : memref<!tpu.dma_semaphore, #tpu.memory_space<semaphore_mem>>)
      } else {
      }
      %mul3A_235 = arith.constant 8 : i32
      %mul3A_236 = arith.muli %scan3A_224, %mul3A_235 : i32
      %add3A_237 = arith.constant 1 : i32
      %add3A_238 = arith.addi %mul3A_236, %add3A_237 : i32
      %dma_wait3A_239 = arith.constant 0 : i32
      %dma_wait3A_240 = tpu.memref_slice %arg9[%add3A_238, %dma_wait3A_239] : memref<160x128xi32, #tpu.memory_space<vmem>> -> memref<1x128xi32, #tpu.memory_space<vmem>>
      %dma_wait3A_241 = tpu.memref_squeeze %dma_wait3A_240 : memref<1x128xi32, #tpu.memory_space<vmem>> -> memref<128xi32, #tpu.memory_space<vmem>>
      %dma_wait3A_242 = arith.constant 0 : i32
      %dma_wait3A_243 = arith.constant 0 : i32
      %dma_wait3A_244 = tpu.memref_slice %arg23[%dma_wait3A_242, %dma_wait3A_243] : memref<10112x16xf32, #tpu.memory_space<vmem_shared>> -> memref<10112x16xf32, #tpu.memory_space<vmem_shared>>
      tpu.wait_indirect_dma semaphore(%arg26 : memref<!tpu.dma_semaphore, #tpu.memory_space<semaphore_mem>>) src(%dma_wait3A_244 : memref<10112x16xf32, #tpu.memory_space<vmem_shared>>) dst(%arg12 : memref<128x16xf32, #tpu.memory_space<vmem>>)
      "tpu.region"() ({
        %run_scoped3A = tpu.sem_alloc : memref<!tpu.dma_semaphore, #tpu.memory_space<semaphore_mem>>
        %dma_start3A_340 = arith.constant 0 : i32
        %dma_start3A_341 = tpu.memref_slice %arg10[%add3A_238, %dma_start3A_340] : memref<160x128xi32, #tpu.memory_space<vmem>> -> memref<1x128xi32, #tpu.memory_space<vmem>>
        %dma_start3A_342 = tpu.memref_squeeze %dma_start3A_341 : memref<1x128xi32, #tpu.memory_space<vmem>> -> memref<128xi32, #tpu.memory_space<vmem>>
        %dma_start3A_343 = arith.constant 0 : i32
        %dma_start3A_344 = arith.constant 0 : i32
        %dma_start3A_345 = tpu.memref_slice %arg24[%dma_start3A_343, %dma_start3A_344] : memref<10112x16xf32, #tpu.memory_space<vmem_shared>> -> memref<10112x16xf32, #tpu.memory_space<vmem_shared>>
        tpu.enqueue_indirect_dma source(%arg12 : memref<128x16xf32, #tpu.memory_space<vmem>>) target(%dma_start3A_345 : memref<10112x16xf32, #tpu.memory_space<vmem_shared>>) offsets(%dma_start3A_342 : memref<128xi32, #tpu.memory_space<vmem>>) semaphore(%run_scoped3A : memref<!tpu.dma_semaphore, #tpu.memory_space<semaphore_mem>>) {add = true}
        %dma_wait3A_346 = arith.constant 0 : i32
        %dma_wait3A_347 = tpu.memref_slice %arg10[%add3A_238, %dma_wait3A_346] : memref<160x128xi32, #tpu.memory_space<vmem>> -> memref<1x128xi32, #tpu.memory_space<vmem>>
        %dma_wait3A_348 = tpu.memref_squeeze %dma_wait3A_347 : memref<1x128xi32, #tpu.memory_space<vmem>> -> memref<128xi32, #tpu.memory_space<vmem>>
        %dma_wait3A_349 = arith.constant 0 : i32
        %dma_wait3A_350 = arith.constant 0 : i32
        %dma_wait3A_351 = tpu.memref_slice %arg24[%dma_wait3A_349, %dma_wait3A_350] : memref<10112x16xf32, #tpu.memory_space<vmem_shared>> -> memref<10112x16xf32, #tpu.memory_space<vmem_shared>>
        tpu.wait_indirect_dma semaphore(%run_scoped3A : memref<!tpu.dma_semaphore, #tpu.memory_space<semaphore_mem>>) src(%arg12 : memref<128x16xf32, #tpu.memory_space<vmem>>) dst(%dma_wait3A_351 : memref<10112x16xf32, #tpu.memory_space<vmem_shared>>)
        tpu.yield
      }) : () -> ()
      %lt3A_245 = arith.constant 152 : i32
      %lt3A_246 = arith.cmpi slt, %add3A_238, %lt3A_245 : i32
      %convert_element_type3A_247 = arith.extui %lt3A_246 : i1 to i32
      %cond3A_248 = arith.constant 0 : i32
      %cond3A_249 = arith.cmpi ne, %convert_element_type3A_247, %cond3A_248 : i32
      scf.if %cond3A_249 {
        %add3A_340 = arith.constant 8 : i32
        %add3A_341 = arith.addi %add3A_238, %add3A_340 : i32
        %dma_start3A_342 = arith.constant 0 : i32
        %dma_start3A_343 = tpu.memref_slice %arg9[%add3A_341, %dma_start3A_342] : memref<160x128xi32, #tpu.memory_space<vmem>> -> memref<1x128xi32, #tpu.memory_space<vmem>>
        %dma_start3A_344 = tpu.memref_squeeze %dma_start3A_343 : memref<1x128xi32, #tpu.memory_space<vmem>> -> memref<128xi32, #tpu.memory_space<vmem>>
        %dma_start3A_345 = arith.constant 0 : i32
        %dma_start3A_346 = arith.constant 0 : i32
        %dma_start3A_347 = tpu.memref_slice %arg23[%dma_start3A_345, %dma_start3A_346] : memref<10112x16xf32, #tpu.memory_space<vmem_shared>> -> memref<10112x16xf32, #tpu.memory_space<vmem_shared>>
        tpu.enqueue_indirect_dma source(%dma_start3A_347 : memref<10112x16xf32, #tpu.memory_space<vmem_shared>>) target(%arg12 : memref<128x16xf32, #tpu.memory_space<vmem>>) offsets(%dma_start3A_344 : memref<128xi32, #tpu.memory_space<vmem>>) semaphore(%arg26 : memref<!tpu.dma_semaphore, #tpu.memory_space<semaphore_mem>>)
      } else {
      }
      %mul3A_250 = arith.constant 8 : i32
      %mul3A_251 = arith.muli %scan3A_224, %mul3A_250 : i32
      %add3A_252 = arith.constant 2 : i32
      %add3A_253 = arith.addi %mul3A_251, %add3A_252 : i32
      %dma_wait3A_254 = arith.constant 0 : i32
      %dma_wait3A_255 = tpu.memref_slice %arg9[%add3A_253, %dma_wait3A_254] : memref<160x128xi32, #tpu.memory_space<vmem>> -> memref<1x128xi32, #tpu.memory_space<vmem>>
      %dma_wait3A_256 = tpu.memref_squeeze %dma_wait3A_255 : memref<1x128xi32, #tpu.memory_space<vmem>> -> memref<128xi32, #tpu.memory_space<vmem>>
      %dma_wait3A_257 = arith.constant 0 : i32
      %dma_wait3A_258 = arith.constant 0 : i32
      %dma_wait3A_259 = tpu.memref_slice %arg23[%dma_wait3A_257, %dma_wait3A_258] : memref<10112x16xf32, #tpu.memory_space<vmem_shared>> -> memref<10112x16xf32, #tpu.memory_space<vmem_shared>>
      tpu.wait_indirect_dma semaphore(%arg27 : memref<!tpu.dma_semaphore, #tpu.memory_space<semaphore_mem>>) src(%dma_wait3A_259 : memref<10112x16xf32, #tpu.memory_space<vmem_shared>>) dst(%arg13 : memref<128x16xf32, #tpu.memory_space<vmem>>)
      "tpu.region"() ({
        %run_scoped3A = tpu.sem_alloc : memref<!tpu.dma_semaphore, #tpu.memory_space<semaphore_mem>>
        %dma_start3A_340 = arith.constant 0 : i32
        %dma_start3A_341 = tpu.memref_slice %arg10[%add3A_253, %dma_start3A_340] : memref<160x128xi32, #tpu.memory_space<vmem>> -> memref<1x128xi32, #tpu.memory_space<vmem>>
        %dma_start3A_342 = tpu.memref_squeeze %dma_start3A_341 : memref<1x128xi32, #tpu.memory_space<vmem>> -> memref<128xi32, #tpu.memory_space<vmem>>
        %dma_start3A_343 = arith.constant 0 : i32
        %dma_start3A_344 = arith.constant 0 : i32
        %dma_start3A_345 = tpu.memref_slice %arg24[%dma_start3A_343, %dma_start3A_344] : memref<10112x16xf32, #tpu.memory_space<vmem_shared>> -> memref<10112x16xf32, #tpu.memory_space<vmem_shared>>
        tpu.enqueue_indirect_dma source(%arg13 : memref<128x16xf32, #tpu.memory_space<vmem>>) target(%dma_start3A_345 : memref<10112x16xf32, #tpu.memory_space<vmem_shared>>) offsets(%dma_start3A_342 : memref<128xi32, #tpu.memory_space<vmem>>) semaphore(%run_scoped3A : memref<!tpu.dma_semaphore, #tpu.memory_space<semaphore_mem>>) {add = true}
        %dma_wait3A_346 = arith.constant 0 : i32
        %dma_wait3A_347 = tpu.memref_slice %arg10[%add3A_253, %dma_wait3A_346] : memref<160x128xi32, #tpu.memory_space<vmem>> -> memref<1x128xi32, #tpu.memory_space<vmem>>
        %dma_wait3A_348 = tpu.memref_squeeze %dma_wait3A_347 : memref<1x128xi32, #tpu.memory_space<vmem>> -> memref<128xi32, #tpu.memory_space<vmem>>
        %dma_wait3A_349 = arith.constant 0 : i32
        %dma_wait3A_350 = arith.constant 0 : i32
        %dma_wait3A_351 = tpu.memref_slice %arg24[%dma_wait3A_349, %dma_wait3A_350] : memref<10112x16xf32, #tpu.memory_space<vmem_shared>> -> memref<10112x16xf32, #tpu.memory_space<vmem_shared>>
        tpu.wait_indirect_dma semaphore(%run_scoped3A : memref<!tpu.dma_semaphore, #tpu.memory_space<semaphore_mem>>) src(%arg13 : memref<128x16xf32, #tpu.memory_space<vmem>>) dst(%dma_wait3A_351 : memref<10112x16xf32, #tpu.memory_space<vmem_shared>>)
        tpu.yield
      }) : () -> ()
      %lt3A_260 = arith.constant 152 : i32
      %lt3A_261 = arith.cmpi slt, %add3A_253, %lt3A_260 : i32
      %convert_element_type3A_262 = arith.extui %lt3A_261 : i1 to i32
      %cond3A_263 = arith.constant 0 : i32
      %cond3A_264 = arith.cmpi ne, %convert_element_type3A_262, %cond3A_263 : i32
      scf.if %cond3A_264 {
        %add3A_340 = arith.constant 8 : i32
        %add3A_341 = arith.addi %add3A_253, %add3A_340 : i32
        %dma_start3A_342 = arith.constant 0 : i32
        %dma_start3A_343 = tpu.memref_slice %arg9[%add3A_341, %dma_start3A_342] : memref<160x128xi32, #tpu.memory_space<vmem>> -> memref<1x128xi32, #tpu.memory_space<vmem>>
        %dma_start3A_344 = tpu.memref_squeeze %dma_start3A_343 : memref<1x128xi32, #tpu.memory_space<vmem>> -> memref<128xi32, #tpu.memory_space<vmem>>
        %dma_start3A_345 = arith.constant 0 : i32
        %dma_start3A_346 = arith.constant 0 : i32
        %dma_start3A_347 = tpu.memref_slice %arg23[%dma_start3A_345, %dma_start3A_346] : memref<10112x16xf32, #tpu.memory_space<vmem_shared>> -> memref<10112x16xf32, #tpu.memory_space<vmem_shared>>
        tpu.enqueue_indirect_dma source(%dma_start3A_347 : memref<10112x16xf32, #tpu.memory_space<vmem_shared>>) target(%arg13 : memref<128x16xf32, #tpu.memory_space<vmem>>) offsets(%dma_start3A_344 : memref<128xi32, #tpu.memory_space<vmem>>) semaphore(%arg27 : memref<!tpu.dma_semaphore, #tpu.memory_space<semaphore_mem>>)
      } else {
      }
      %mul3A_265 = arith.constant 8 : i32
      %mul3A_266 = arith.muli %scan3A_224, %mul3A_265 : i32
      %add3A_267 = arith.constant 3 : i32
      %add3A_268 = arith.addi %mul3A_266, %add3A_267 : i32
      %dma_wait3A_269 = arith.constant 0 : i32
      %dma_wait3A_270 = tpu.memref_slice %arg9[%add3A_268, %dma_wait3A_269] : memref<160x128xi32, #tpu.memory_space<vmem>> -> memref<1x128xi32, #tpu.memory_space<vmem>>
      %dma_wait3A_271 = tpu.memref_squeeze %dma_wait3A_270 : memref<1x128xi32, #tpu.memory_space<vmem>> -> memref<128xi32, #tpu.memory_space<vmem>>
      %dma_wait3A_272 = arith.constant 0 : i32
      %dma_wait3A_273 = arith.constant 0 : i32
      %dma_wait3A_274 = tpu.memref_slice %arg23[%dma_wait3A_272, %dma_wait3A_273] : memref<10112x16xf32, #tpu.memory_space<vmem_shared>> -> memref<10112x16xf32, #tpu.memory_space<vmem_shared>>
      tpu.wait_indirect_dma semaphore(%arg28 : memref<!tpu.dma_semaphore, #tpu.memory_space<semaphore_mem>>) src(%dma_wait3A_274 : memref<10112x16xf32, #tpu.memory_space<vmem_shared>>) dst(%arg14 : memref<128x16xf32, #tpu.memory_space<vmem>>)
      "tpu.region"() ({
        %run_scoped3A = tpu.sem_alloc : memref<!tpu.dma_semaphore, #tpu.memory_space<semaphore_mem>>
        %dma_start3A_340 = arith.constant 0 : i32
        %dma_start3A_341 = tpu.memref_slice %arg10[%add3A_268, %dma_start3A_340] : memref<160x128xi32, #tpu.memory_space<vmem>> -> memref<1x128xi32, #tpu.memory_space<vmem>>
        %dma_start3A_342 = tpu.memref_squeeze %dma_start3A_341 : memref<1x128xi32, #tpu.memory_space<vmem>> -> memref<128xi32, #tpu.memory_space<vmem>>
        %dma_start3A_343 = arith.constant 0 : i32
        %dma_start3A_344 = arith.constant 0 : i32
        %dma_start3A_345 = tpu.memref_slice %arg24[%dma_start3A_343, %dma_start3A_344] : memref<10112x16xf32, #tpu.memory_space<vmem_shared>> -> memref<10112x16xf32, #tpu.memory_space<vmem_shared>>
        tpu.enqueue_indirect_dma source(%arg14 : memref<128x16xf32, #tpu.memory_space<vmem>>) target(%dma_start3A_345 : memref<10112x16xf32, #tpu.memory_space<vmem_shared>>) offsets(%dma_start3A_342 : memref<128xi32, #tpu.memory_space<vmem>>) semaphore(%run_scoped3A : memref<!tpu.dma_semaphore, #tpu.memory_space<semaphore_mem>>) {add = true}
        %dma_wait3A_346 = arith.constant 0 : i32
        %dma_wait3A_347 = tpu.memref_slice %arg10[%add3A_268, %dma_wait3A_346] : memref<160x128xi32, #tpu.memory_space<vmem>> -> memref<1x128xi32, #tpu.memory_space<vmem>>
        %dma_wait3A_348 = tpu.memref_squeeze %dma_wait3A_347 : memref<1x128xi32, #tpu.memory_space<vmem>> -> memref<128xi32, #tpu.memory_space<vmem>>
        %dma_wait3A_349 = arith.constant 0 : i32
        %dma_wait3A_350 = arith.constant 0 : i32
        %dma_wait3A_351 = tpu.memref_slice %arg24[%dma_wait3A_349, %dma_wait3A_350] : memref<10112x16xf32, #tpu.memory_space<vmem_shared>> -> memref<10112x16xf32, #tpu.memory_space<vmem_shared>>
        tpu.wait_indirect_dma semaphore(%run_scoped3A : memref<!tpu.dma_semaphore, #tpu.memory_space<semaphore_mem>>) src(%arg14 : memref<128x16xf32, #tpu.memory_space<vmem>>) dst(%dma_wait3A_351 : memref<10112x16xf32, #tpu.memory_space<vmem_shared>>)
        tpu.yield
      }) : () -> ()
      %lt3A_275 = arith.constant 152 : i32
      %lt3A_276 = arith.cmpi slt, %add3A_268, %lt3A_275 : i32
      %convert_element_type3A_277 = arith.extui %lt3A_276 : i1 to i32
      %cond3A_278 = arith.constant 0 : i32
      %cond3A_279 = arith.cmpi ne, %convert_element_type3A_277, %cond3A_278 : i32
      scf.if %cond3A_279 {
        %add3A_340 = arith.constant 8 : i32
        %add3A_341 = arith.addi %add3A_268, %add3A_340 : i32
        %dma_start3A_342 = arith.constant 0 : i32
        %dma_start3A_343 = tpu.memref_slice %arg9[%add3A_341, %dma_start3A_342] : memref<160x128xi32, #tpu.memory_space<vmem>> -> memref<1x128xi32, #tpu.memory_space<vmem>>
        %dma_start3A_344 = tpu.memref_squeeze %dma_start3A_343 : memref<1x128xi32, #tpu.memory_space<vmem>> -> memref<128xi32, #tpu.memory_space<vmem>>
        %dma_start3A_345 = arith.constant 0 : i32
        %dma_start3A_346 = arith.constant 0 : i32
        %dma_start3A_347 = tpu.memref_slice %arg23[%dma_start3A_345, %dma_start3A_346] : memref<10112x16xf32, #tpu.memory_space<vmem_shared>> -> memref<10112x16xf32, #tpu.memory_space<vmem_shared>>
        tpu.enqueue_indirect_dma source(%dma_start3A_347 : memref<10112x16xf32, #tpu.memory_space<vmem_shared>>) target(%arg14 : memref<128x16xf32, #tpu.memory_space<vmem>>) offsets(%dma_start3A_344 : memref<128xi32, #tpu.memory_space<vmem>>) semaphore(%arg28 : memref<!tpu.dma_semaphore, #tpu.memory_space<semaphore_mem>>)
      } else {
      }
      %mul3A_280 = arith.constant 8 : i32
      %mul3A_281 = arith.muli %scan3A_224, %mul3A_280 : i32
      %add3A_282 = arith.constant 4 : i32
      %add3A_283 = arith.addi %mul3A_281, %add3A_282 : i32
      %dma_wait3A_284 = arith.constant 0 : i32
      %dma_wait3A_285 = tpu.memref_slice %arg9[%add3A_283, %dma_wait3A_284] : memref<160x128xi32, #tpu.memory_space<vmem>> -> memref<1x128xi32, #tpu.memory_space<vmem>>
      %dma_wait3A_286 = tpu.memref_squeeze %dma_wait3A_285 : memref<1x128xi32, #tpu.memory_space<vmem>> -> memref<128xi32, #tpu.memory_space<vmem>>
      %dma_wait3A_287 = arith.constant 0 : i32
      %dma_wait3A_288 = arith.constant 0 : i32
      %dma_wait3A_289 = tpu.memref_slice %arg23[%dma_wait3A_287, %dma_wait3A_288] : memref<10112x16xf32, #tpu.memory_space<vmem_shared>> -> memref<10112x16xf32, #tpu.memory_space<vmem_shared>>
      tpu.wait_indirect_dma semaphore(%arg29 : memref<!tpu.dma_semaphore, #tpu.memory_space<semaphore_mem>>) src(%dma_wait3A_289 : memref<10112x16xf32, #tpu.memory_space<vmem_shared>>) dst(%arg15 : memref<128x16xf32, #tpu.memory_space<vmem>>)
      "tpu.region"() ({
        %run_scoped3A = tpu.sem_alloc : memref<!tpu.dma_semaphore, #tpu.memory_space<semaphore_mem>>
        %dma_start3A_340 = arith.constant 0 : i32
        %dma_start3A_341 = tpu.memref_slice %arg10[%add3A_283, %dma_start3A_340] : memref<160x128xi32, #tpu.memory_space<vmem>> -> memref<1x128xi32, #tpu.memory_space<vmem>>
        %dma_start3A_342 = tpu.memref_squeeze %dma_start3A_341 : memref<1x128xi32, #tpu.memory_space<vmem>> -> memref<128xi32, #tpu.memory_space<vmem>>
        %dma_start3A_343 = arith.constant 0 : i32
        %dma_start3A_344 = arith.constant 0 : i32
        %dma_start3A_345 = tpu.memref_slice %arg24[%dma_start3A_343, %dma_start3A_344] : memref<10112x16xf32, #tpu.memory_space<vmem_shared>> -> memref<10112x16xf32, #tpu.memory_space<vmem_shared>>
        tpu.enqueue_indirect_dma source(%arg15 : memref<128x16xf32, #tpu.memory_space<vmem>>) target(%dma_start3A_345 : memref<10112x16xf32, #tpu.memory_space<vmem_shared>>) offsets(%dma_start3A_342 : memref<128xi32, #tpu.memory_space<vmem>>) semaphore(%run_scoped3A : memref<!tpu.dma_semaphore, #tpu.memory_space<semaphore_mem>>) {add = true}
        %dma_wait3A_346 = arith.constant 0 : i32
        %dma_wait3A_347 = tpu.memref_slice %arg10[%add3A_283, %dma_wait3A_346] : memref<160x128xi32, #tpu.memory_space<vmem>> -> memref<1x128xi32, #tpu.memory_space<vmem>>
        %dma_wait3A_348 = tpu.memref_squeeze %dma_wait3A_347 : memref<1x128xi32, #tpu.memory_space<vmem>> -> memref<128xi32, #tpu.memory_space<vmem>>
        %dma_wait3A_349 = arith.constant 0 : i32
        %dma_wait3A_350 = arith.constant 0 : i32
        %dma_wait3A_351 = tpu.memref_slice %arg24[%dma_wait3A_349, %dma_wait3A_350] : memref<10112x16xf32, #tpu.memory_space<vmem_shared>> -> memref<10112x16xf32, #tpu.memory_space<vmem_shared>>
        tpu.wait_indirect_dma semaphore(%run_scoped3A : memref<!tpu.dma_semaphore, #tpu.memory_space<semaphore_mem>>) src(%arg15 : memref<128x16xf32, #tpu.memory_space<vmem>>) dst(%dma_wait3A_351 : memref<10112x16xf32, #tpu.memory_space<vmem_shared>>)
        tpu.yield
      }) : () -> ()
      %lt3A_290 = arith.constant 152 : i32
      %lt3A_291 = arith.cmpi slt, %add3A_283, %lt3A_290 : i32
      %convert_element_type3A_292 = arith.extui %lt3A_291 : i1 to i32
      %cond3A_293 = arith.constant 0 : i32
      %cond3A_294 = arith.cmpi ne, %convert_element_type3A_292, %cond3A_293 : i32
      scf.if %cond3A_294 {
        %add3A_340 = arith.constant 8 : i32
        %add3A_341 = arith.addi %add3A_283, %add3A_340 : i32
        %dma_start3A_342 = arith.constant 0 : i32
        %dma_start3A_343 = tpu.memref_slice %arg9[%add3A_341, %dma_start3A_342] : memref<160x128xi32, #tpu.memory_space<vmem>> -> memref<1x128xi32, #tpu.memory_space<vmem>>
        %dma_start3A_344 = tpu.memref_squeeze %dma_start3A_343 : memref<1x128xi32, #tpu.memory_space<vmem>> -> memref<128xi32, #tpu.memory_space<vmem>>
        %dma_start3A_345 = arith.constant 0 : i32
        %dma_start3A_346 = arith.constant 0 : i32
        %dma_start3A_347 = tpu.memref_slice %arg23[%dma_start3A_345, %dma_start3A_346] : memref<10112x16xf32, #tpu.memory_space<vmem_shared>> -> memref<10112x16xf32, #tpu.memory_space<vmem_shared>>
        tpu.enqueue_indirect_dma source(%dma_start3A_347 : memref<10112x16xf32, #tpu.memory_space<vmem_shared>>) target(%arg15 : memref<128x16xf32, #tpu.memory_space<vmem>>) offsets(%dma_start3A_344 : memref<128xi32, #tpu.memory_space<vmem>>) semaphore(%arg29 : memref<!tpu.dma_semaphore, #tpu.memory_space<semaphore_mem>>)
      } else {
      }
      %mul3A_295 = arith.constant 8 : i32
      %mul3A_296 = arith.muli %scan3A_224, %mul3A_295 : i32
      %add3A_297 = arith.constant 5 : i32
      %add3A_298 = arith.addi %mul3A_296, %add3A_297 : i32
      %dma_wait3A_299 = arith.constant 0 : i32
      %dma_wait3A_300 = tpu.memref_slice %arg9[%add3A_298, %dma_wait3A_299] : memref<160x128xi32, #tpu.memory_space<vmem>> -> memref<1x128xi32, #tpu.memory_space<vmem>>
      %dma_wait3A_301 = tpu.memref_squeeze %dma_wait3A_300 : memref<1x128xi32, #tpu.memory_space<vmem>> -> memref<128xi32, #tpu.memory_space<vmem>>
      %dma_wait3A_302 = arith.constant 0 : i32
      %dma_wait3A_303 = arith.constant 0 : i32
      %dma_wait3A_304 = tpu.memref_slice %arg23[%dma_wait3A_302, %dma_wait3A_303] : memref<10112x16xf32, #tpu.memory_space<vmem_shared>> -> memref<10112x16xf32, #tpu.memory_space<vmem_shared>>
      tpu.wait_indirect_dma semaphore(%arg30 : memref<!tpu.dma_semaphore, #tpu.memory_space<semaphore_mem>>) src(%dma_wait3A_304 : memref<10112x16xf32, #tpu.memory_space<vmem_shared>>) dst(%arg16 : memref<128x16xf32, #tpu.memory_space<vmem>>)
      "tpu.region"() ({
        %run_scoped3A = tpu.sem_alloc : memref<!tpu.dma_semaphore, #tpu.memory_space<semaphore_mem>>
        %dma_start3A_340 = arith.constant 0 : i32
        %dma_start3A_341 = tpu.memref_slice %arg10[%add3A_298, %dma_start3A_340] : memref<160x128xi32, #tpu.memory_space<vmem>> -> memref<1x128xi32, #tpu.memory_space<vmem>>
        %dma_start3A_342 = tpu.memref_squeeze %dma_start3A_341 : memref<1x128xi32, #tpu.memory_space<vmem>> -> memref<128xi32, #tpu.memory_space<vmem>>
        %dma_start3A_343 = arith.constant 0 : i32
        %dma_start3A_344 = arith.constant 0 : i32
        %dma_start3A_345 = tpu.memref_slice %arg24[%dma_start3A_343, %dma_start3A_344] : memref<10112x16xf32, #tpu.memory_space<vmem_shared>> -> memref<10112x16xf32, #tpu.memory_space<vmem_shared>>
        tpu.enqueue_indirect_dma source(%arg16 : memref<128x16xf32, #tpu.memory_space<vmem>>) target(%dma_start3A_345 : memref<10112x16xf32, #tpu.memory_space<vmem_shared>>) offsets(%dma_start3A_342 : memref<128xi32, #tpu.memory_space<vmem>>) semaphore(%run_scoped3A : memref<!tpu.dma_semaphore, #tpu.memory_space<semaphore_mem>>) {add = true}
        %dma_wait3A_346 = arith.constant 0 : i32
        %dma_wait3A_347 = tpu.memref_slice %arg10[%add3A_298, %dma_wait3A_346] : memref<160x128xi32, #tpu.memory_space<vmem>> -> memref<1x128xi32, #tpu.memory_space<vmem>>
        %dma_wait3A_348 = tpu.memref_squeeze %dma_wait3A_347 : memref<1x128xi32, #tpu.memory_space<vmem>> -> memref<128xi32, #tpu.memory_space<vmem>>
        %dma_wait3A_349 = arith.constant 0 : i32
        %dma_wait3A_350 = arith.constant 0 : i32
        %dma_wait3A_351 = tpu.memref_slice %arg24[%dma_wait3A_349, %dma_wait3A_350] : memref<10112x16xf32, #tpu.memory_space<vmem_shared>> -> memref<10112x16xf32, #tpu.memory_space<vmem_shared>>
        tpu.wait_indirect_dma semaphore(%run_scoped3A : memref<!tpu.dma_semaphore, #tpu.memory_space<semaphore_mem>>) src(%arg16 : memref<128x16xf32, #tpu.memory_space<vmem>>) dst(%dma_wait3A_351 : memref<10112x16xf32, #tpu.memory_space<vmem_shared>>)
        tpu.yield
      }) : () -> ()
      %lt3A_305 = arith.constant 152 : i32
      %lt3A_306 = arith.cmpi slt, %add3A_298, %lt3A_305 : i32
      %convert_element_type3A_307 = arith.extui %lt3A_306 : i1 to i32
      %cond3A_308 = arith.constant 0 : i32
      %cond3A_309 = arith.cmpi ne, %convert_element_type3A_307, %cond3A_308 : i32
      scf.if %cond3A_309 {
        %add3A_340 = arith.constant 8 : i32
        %add3A_341 = arith.addi %add3A_298, %add3A_340 : i32
        %dma_start3A_342 = arith.constant 0 : i32
        %dma_start3A_343 = tpu.memref_slice %arg9[%add3A_341, %dma_start3A_342] : memref<160x128xi32, #tpu.memory_space<vmem>> -> memref<1x128xi32, #tpu.memory_space<vmem>>
        %dma_start3A_344 = tpu.memref_squeeze %dma_start3A_343 : memref<1x128xi32, #tpu.memory_space<vmem>> -> memref<128xi32, #tpu.memory_space<vmem>>
        %dma_start3A_345 = arith.constant 0 : i32
        %dma_start3A_346 = arith.constant 0 : i32
        %dma_start3A_347 = tpu.memref_slice %arg23[%dma_start3A_345, %dma_start3A_346] : memref<10112x16xf32, #tpu.memory_space<vmem_shared>> -> memref<10112x16xf32, #tpu.memory_space<vmem_shared>>
        tpu.enqueue_indirect_dma source(%dma_start3A_347 : memref<10112x16xf32, #tpu.memory_space<vmem_shared>>) target(%arg16 : memref<128x16xf32, #tpu.memory_space<vmem>>) offsets(%dma_start3A_344 : memref<128xi32, #tpu.memory_space<vmem>>) semaphore(%arg30 : memref<!tpu.dma_semaphore, #tpu.memory_space<semaphore_mem>>)
      } else {
      }
      %mul3A_310 = arith.constant 8 : i32
      %mul3A_311 = arith.muli %scan3A_224, %mul3A_310 : i32
      %add3A_312 = arith.constant 6 : i32
      %add3A_313 = arith.addi %mul3A_311, %add3A_312 : i32
      %dma_wait3A_314 = arith.constant 0 : i32
      %dma_wait3A_315 = tpu.memref_slice %arg9[%add3A_313, %dma_wait3A_314] : memref<160x128xi32, #tpu.memory_space<vmem>> -> memref<1x128xi32, #tpu.memory_space<vmem>>
      %dma_wait3A_316 = tpu.memref_squeeze %dma_wait3A_315 : memref<1x128xi32, #tpu.memory_space<vmem>> -> memref<128xi32, #tpu.memory_space<vmem>>
      %dma_wait3A_317 = arith.constant 0 : i32
      %dma_wait3A_318 = arith.constant 0 : i32
      %dma_wait3A_319 = tpu.memref_slice %arg23[%dma_wait3A_317, %dma_wait3A_318] : memref<10112x16xf32, #tpu.memory_space<vmem_shared>> -> memref<10112x16xf32, #tpu.memory_space<vmem_shared>>
      tpu.wait_indirect_dma semaphore(%arg31 : memref<!tpu.dma_semaphore, #tpu.memory_space<semaphore_mem>>) src(%dma_wait3A_319 : memref<10112x16xf32, #tpu.memory_space<vmem_shared>>) dst(%arg17 : memref<128x16xf32, #tpu.memory_space<vmem>>)
      "tpu.region"() ({
        %run_scoped3A = tpu.sem_alloc : memref<!tpu.dma_semaphore, #tpu.memory_space<semaphore_mem>>
        %dma_start3A_340 = arith.constant 0 : i32
        %dma_start3A_341 = tpu.memref_slice %arg10[%add3A_313, %dma_start3A_340] : memref<160x128xi32, #tpu.memory_space<vmem>> -> memref<1x128xi32, #tpu.memory_space<vmem>>
        %dma_start3A_342 = tpu.memref_squeeze %dma_start3A_341 : memref<1x128xi32, #tpu.memory_space<vmem>> -> memref<128xi32, #tpu.memory_space<vmem>>
        %dma_start3A_343 = arith.constant 0 : i32
        %dma_start3A_344 = arith.constant 0 : i32
        %dma_start3A_345 = tpu.memref_slice %arg24[%dma_start3A_343, %dma_start3A_344] : memref<10112x16xf32, #tpu.memory_space<vmem_shared>> -> memref<10112x16xf32, #tpu.memory_space<vmem_shared>>
        tpu.enqueue_indirect_dma source(%arg17 : memref<128x16xf32, #tpu.memory_space<vmem>>) target(%dma_start3A_345 : memref<10112x16xf32, #tpu.memory_space<vmem_shared>>) offsets(%dma_start3A_342 : memref<128xi32, #tpu.memory_space<vmem>>) semaphore(%run_scoped3A : memref<!tpu.dma_semaphore, #tpu.memory_space<semaphore_mem>>) {add = true}
        %dma_wait3A_346 = arith.constant 0 : i32
        %dma_wait3A_347 = tpu.memref_slice %arg10[%add3A_313, %dma_wait3A_346] : memref<160x128xi32, #tpu.memory_space<vmem>> -> memref<1x128xi32, #tpu.memory_space<vmem>>
        %dma_wait3A_348 = tpu.memref_squeeze %dma_wait3A_347 : memref<1x128xi32, #tpu.memory_space<vmem>> -> memref<128xi32, #tpu.memory_space<vmem>>
        %dma_wait3A_349 = arith.constant 0 : i32
        %dma_wait3A_350 = arith.constant 0 : i32
        %dma_wait3A_351 = tpu.memref_slice %arg24[%dma_wait3A_349, %dma_wait3A_350] : memref<10112x16xf32, #tpu.memory_space<vmem_shared>> -> memref<10112x16xf32, #tpu.memory_space<vmem_shared>>
        tpu.wait_indirect_dma semaphore(%run_scoped3A : memref<!tpu.dma_semaphore, #tpu.memory_space<semaphore_mem>>) src(%arg17 : memref<128x16xf32, #tpu.memory_space<vmem>>) dst(%dma_wait3A_351 : memref<10112x16xf32, #tpu.memory_space<vmem_shared>>)
        tpu.yield
      }) : () -> ()
      %lt3A_320 = arith.constant 152 : i32
      %lt3A_321 = arith.cmpi slt, %add3A_313, %lt3A_320 : i32
      %convert_element_type3A_322 = arith.extui %lt3A_321 : i1 to i32
      %cond3A_323 = arith.constant 0 : i32
      %cond3A_324 = arith.cmpi ne, %convert_element_type3A_322, %cond3A_323 : i32
      scf.if %cond3A_324 {
        %add3A_340 = arith.constant 8 : i32
        %add3A_341 = arith.addi %add3A_313, %add3A_340 : i32
        %dma_start3A_342 = arith.constant 0 : i32
        %dma_start3A_343 = tpu.memref_slice %arg9[%add3A_341, %dma_start3A_342] : memref<160x128xi32, #tpu.memory_space<vmem>> -> memref<1x128xi32, #tpu.memory_space<vmem>>
        %dma_start3A_344 = tpu.memref_squeeze %dma_start3A_343 : memref<1x128xi32, #tpu.memory_space<vmem>> -> memref<128xi32, #tpu.memory_space<vmem>>
        %dma_start3A_345 = arith.constant 0 : i32
        %dma_start3A_346 = arith.constant 0 : i32
        %dma_start3A_347 = tpu.memref_slice %arg23[%dma_start3A_345, %dma_start3A_346] : memref<10112x16xf32, #tpu.memory_space<vmem_shared>> -> memref<10112x16xf32, #tpu.memory_space<vmem_shared>>
        tpu.enqueue_indirect_dma source(%dma_start3A_347 : memref<10112x16xf32, #tpu.memory_space<vmem_shared>>) target(%arg17 : memref<128x16xf32, #tpu.memory_space<vmem>>) offsets(%dma_start3A_344 : memref<128xi32, #tpu.memory_space<vmem>>) semaphore(%arg31 : memref<!tpu.dma_semaphore, #tpu.memory_space<semaphore_mem>>)
      } else {
      }
      %mul3A_325 = arith.constant 8 : i32
      %mul3A_326 = arith.muli %scan3A_224, %mul3A_325 : i32
      %add3A_327 = arith.constant 7 : i32
      %add3A_328 = arith.addi %mul3A_326, %add3A_327 : i32
      %dma_wait3A_329 = arith.constant 0 : i32
      %dma_wait3A_330 = tpu.memref_slice %arg9[%add3A_328, %dma_wait3A_329] : memref<160x128xi32, #tpu.memory_space<vmem>> -> memref<1x128xi32, #tpu.memory_space<vmem>>
      %dma_wait3A_331 = tpu.memref_squeeze %dma_wait3A_330 : memref<1x128xi32, #tpu.memory_space<vmem>> -> memref<128xi32, #tpu.memory_space<vmem>>
      %dma_wait3A_332 = arith.constant 0 : i32
      %dma_wait3A_333 = arith.constant 0 : i32
      %dma_wait3A_334 = tpu.memref_slice %arg23[%dma_wait3A_332, %dma_wait3A_333] : memref<10112x16xf32, #tpu.memory_space<vmem_shared>> -> memref<10112x16xf32, #tpu.memory_space<vmem_shared>>
      tpu.wait_indirect_dma semaphore(%arg32 : memref<!tpu.dma_semaphore, #tpu.memory_space<semaphore_mem>>) src(%dma_wait3A_334 : memref<10112x16xf32, #tpu.memory_space<vmem_shared>>) dst(%arg18 : memref<128x16xf32, #tpu.memory_space<vmem>>)
      "tpu.region"() ({
        %run_scoped3A = tpu.sem_alloc : memref<!tpu.dma_semaphore, #tpu.memory_space<semaphore_mem>>
        %dma_start3A_340 = arith.constant 0 : i32
        %dma_start3A_341 = tpu.memref_slice %arg10[%add3A_328, %dma_start3A_340] : memref<160x128xi32, #tpu.memory_space<vmem>> -> memref<1x128xi32, #tpu.memory_space<vmem>>
        %dma_start3A_342 = tpu.memref_squeeze %dma_start3A_341 : memref<1x128xi32, #tpu.memory_space<vmem>> -> memref<128xi32, #tpu.memory_space<vmem>>
        %dma_start3A_343 = arith.constant 0 : i32
        %dma_start3A_344 = arith.constant 0 : i32
        %dma_start3A_345 = tpu.memref_slice %arg24[%dma_start3A_343, %dma_start3A_344] : memref<10112x16xf32, #tpu.memory_space<vmem_shared>> -> memref<10112x16xf32, #tpu.memory_space<vmem_shared>>
        tpu.enqueue_indirect_dma source(%arg18 : memref<128x16xf32, #tpu.memory_space<vmem>>) target(%dma_start3A_345 : memref<10112x16xf32, #tpu.memory_space<vmem_shared>>) offsets(%dma_start3A_342 : memref<128xi32, #tpu.memory_space<vmem>>) semaphore(%run_scoped3A : memref<!tpu.dma_semaphore, #tpu.memory_space<semaphore_mem>>) {add = true}
        %dma_wait3A_346 = arith.constant 0 : i32
        %dma_wait3A_347 = tpu.memref_slice %arg10[%add3A_328, %dma_wait3A_346] : memref<160x128xi32, #tpu.memory_space<vmem>> -> memref<1x128xi32, #tpu.memory_space<vmem>>
        %dma_wait3A_348 = tpu.memref_squeeze %dma_wait3A_347 : memref<1x128xi32, #tpu.memory_space<vmem>> -> memref<128xi32, #tpu.memory_space<vmem>>
        %dma_wait3A_349 = arith.constant 0 : i32
        %dma_wait3A_350 = arith.constant 0 : i32
        %dma_wait3A_351 = tpu.memref_slice %arg24[%dma_wait3A_349, %dma_wait3A_350] : memref<10112x16xf32, #tpu.memory_space<vmem_shared>> -> memref<10112x16xf32, #tpu.memory_space<vmem_shared>>
        tpu.wait_indirect_dma semaphore(%run_scoped3A : memref<!tpu.dma_semaphore, #tpu.memory_space<semaphore_mem>>) src(%arg18 : memref<128x16xf32, #tpu.memory_space<vmem>>) dst(%dma_wait3A_351 : memref<10112x16xf32, #tpu.memory_space<vmem_shared>>)
        tpu.yield
      }) : () -> ()
      %lt3A_335 = arith.constant 152 : i32
      %lt3A_336 = arith.cmpi slt, %add3A_328, %lt3A_335 : i32
      %convert_element_type3A_337 = arith.extui %lt3A_336 : i1 to i32
      %cond3A_338 = arith.constant 0 : i32
      %cond3A_339 = arith.cmpi ne, %convert_element_type3A_337, %cond3A_338 : i32
      scf.if %cond3A_339 {
        %add3A_340 = arith.constant 8 : i32
        %add3A_341 = arith.addi %add3A_328, %add3A_340 : i32
        %dma_start3A_342 = arith.constant 0 : i32
        %dma_start3A_343 = tpu.memref_slice %arg9[%add3A_341, %dma_start3A_342] : memref<160x128xi32, #tpu.memory_space<vmem>> -> memref<1x128xi32, #tpu.memory_space<vmem>>
        %dma_start3A_344 = tpu.memref_squeeze %dma_start3A_343 : memref<1x128xi32, #tpu.memory_space<vmem>> -> memref<128xi32, #tpu.memory_space<vmem>>
        %dma_start3A_345 = arith.constant 0 : i32
        %dma_start3A_346 = arith.constant 0 : i32
        %dma_start3A_347 = tpu.memref_slice %arg23[%dma_start3A_345, %dma_start3A_346] : memref<10112x16xf32, #tpu.memory_space<vmem_shared>> -> memref<10112x16xf32, #tpu.memory_space<vmem_shared>>
        tpu.enqueue_indirect_dma source(%dma_start3A_347 : memref<10112x16xf32, #tpu.memory_space<vmem_shared>>) target(%arg18 : memref<128x16xf32, #tpu.memory_space<vmem>>) offsets(%dma_start3A_344 : memref<128xi32, #tpu.memory_space<vmem>>) semaphore(%arg32 : memref<!tpu.dma_semaphore, #tpu.memory_space<semaphore_mem>>)
      } else {
      }
    }
    %scan3A_172 = arith.constant 20 : i32
    %barrier3A_173 = arith.constant 0 : index
    tpu.barrier barrier_id(%barrier3A_173)
    "tpu.region"() ({
      %run_scoped3A = tpu.sem_alloc : memref<!tpu.dma_semaphore, #tpu.memory_space<semaphore_mem>>
      %dma_start3A_224 = arith.constant 0 : i32
      %dma_start3A_225 = tpu.memref_slice %arg24[%mul3A_0, %dma_start3A_224] : memref<10112x16xf32, #tpu.memory_space<vmem_shared>> -> memref<632x16xf32, #tpu.memory_space<vmem_shared>>
      %dma_start3A_226 = arith.constant 0 : i32
      %dma_start3A_227 = tpu.memref_slice %arg24[%mul3A_0, %dma_start3A_226] : memref<10112x16xf32, #tpu.memory_space<vmem_shared>> -> memref<632x16xf32, #tpu.memory_space<vmem_shared>>
      tpu.enqueue_dma source(%dma_start3A_227 : memref<632x16xf32, #tpu.memory_space<vmem_shared>>) target(%arg19 : memref<632x16xf32, #tpu.memory_space<vmem>>) target_semaphore(%run_scoped3A : memref<!tpu.dma_semaphore, #tpu.memory_space<semaphore_mem>>)
      %dma_wait3A = arith.constant 0 : i32
      %dma_wait3A_228 = tpu.memref_slice %arg24[%mul3A_0, %dma_wait3A] : memref<10112x16xf32, #tpu.memory_space<vmem_shared>> -> memref<632x16xf32, #tpu.memory_space<vmem_shared>>
      %dma_wait3A_229 = arith.constant 0 : i32
      %dma_wait3A_230 = tpu.memref_slice %arg24[%mul3A_0, %dma_wait3A_229] : memref<10112x16xf32, #tpu.memory_space<vmem_shared>> -> memref<632x16xf32, #tpu.memory_space<vmem_shared>>
      tpu.wait_dma2 semaphore(%run_scoped3A : memref<!tpu.dma_semaphore, #tpu.memory_space<semaphore_mem>>) src(%dma_wait3A_230 : memref<632x16xf32, #tpu.memory_space<vmem_shared>>) dst(%arg19 : memref<632x16xf32, #tpu.memory_space<vmem>>)
      tpu.yield
    }) : () -> ()
    "tpu.region"() ({
      %run_scoped3A = tpu.sem_alloc : memref<!tpu.dma_semaphore, #tpu.memory_space<semaphore_mem>>
      %dma_start3A_224 = arith.constant 0 : i32
      %dma_start3A_225 = tpu.memref_slice %arg23[%mul3A_0, %dma_start3A_224] : memref<10112x16xf32, #tpu.memory_space<vmem_shared>> -> memref<632x16xf32, #tpu.memory_space<vmem_shared>>
      %dma_start3A_226 = arith.constant 0 : i32
      %dma_start3A_227 = tpu.memref_slice %arg23[%mul3A_0, %dma_start3A_226] : memref<10112x16xf32, #tpu.memory_space<vmem_shared>> -> memref<632x16xf32, #tpu.memory_space<vmem_shared>>
      tpu.enqueue_dma source(%dma_start3A_227 : memref<632x16xf32, #tpu.memory_space<vmem_shared>>) target(%arg20 : memref<632x16xf32, #tpu.memory_space<vmem>>) target_semaphore(%run_scoped3A : memref<!tpu.dma_semaphore, #tpu.memory_space<semaphore_mem>>)
      %dma_wait3A = arith.constant 0 : i32
      %dma_wait3A_228 = tpu.memref_slice %arg23[%mul3A_0, %dma_wait3A] : memref<10112x16xf32, #tpu.memory_space<vmem_shared>> -> memref<632x16xf32, #tpu.memory_space<vmem_shared>>
      %dma_wait3A_229 = arith.constant 0 : i32
      %dma_wait3A_230 = tpu.memref_slice %arg23[%mul3A_0, %dma_wait3A_229] : memref<10112x16xf32, #tpu.memory_space<vmem_shared>> -> memref<632x16xf32, #tpu.memory_space<vmem_shared>>
      tpu.wait_dma2 semaphore(%run_scoped3A : memref<!tpu.dma_semaphore, #tpu.memory_space<semaphore_mem>>) src(%dma_wait3A_230 : memref<632x16xf32, #tpu.memory_space<vmem_shared>>) dst(%arg20 : memref<632x16xf32, #tpu.memory_space<vmem>>)
      tpu.yield
    }) : () -> ()
    %get3A_174 = arith.constant 0 : i32
    %get3A_175 = arith.index_cast %get3A_174 : i32 to index
    %get3A_176 = arith.constant 0 : index
    %get3A_177 = tpu.vector_load %arg21[%get3A_175, %get3A_176] {strides = array<i32>} : memref<8x16xf32, #tpu.memory_space<vmem>>, vector<1x16xf32>,
    %get3A_178 = vector.shape_cast %get3A_177 : vector<1x16xf32> to vector<16xf32>
    %get3A_179 = arith.constant 1 : i32
    %get3A_180 = arith.index_cast %get3A_179 : i32 to index
    %get3A_181 = arith.constant 0 : index
    %get3A_182 = tpu.vector_load %arg21[%get3A_180, %get3A_181] {strides = array<i32>} : memref<8x16xf32, #tpu.memory_space<vmem>>, vector<1x16xf32>,
    %get3A_183 = vector.shape_cast %get3A_182 : vector<1x16xf32> to vector<16xf32>
    %get3A_184 = arith.constant 2 : i32
    %get3A_185 = arith.index_cast %get3A_184 : i32 to index
    %get3A_186 = arith.constant 0 : index
    %get3A_187 = tpu.vector_load %arg21[%get3A_185, %get3A_186] {strides = array<i32>} : memref<8x16xf32, #tpu.memory_space<vmem>>, vector<1x16xf32>,
    %get3A_188 = vector.shape_cast %get3A_187 : vector<1x16xf32> to vector<16xf32>
    %get3A_189 = arith.constant 3 : i32
    %get3A_190 = arith.index_cast %get3A_189 : i32 to index
    %get3A_191 = arith.constant 0 : index
    %get3A_192 = tpu.vector_load %arg21[%get3A_190, %get3A_191] {strides = array<i32>} : memref<8x16xf32, #tpu.memory_space<vmem>>, vector<1x16xf32>,
    %get3A_193 = vector.shape_cast %get3A_192 : vector<1x16xf32> to vector<16xf32>
    %get3A_194 = arith.constant 4 : i32
    %get3A_195 = arith.index_cast %get3A_194 : i32 to index
    %get3A_196 = arith.constant 0 : index
    %get3A_197 = tpu.vector_load %arg21[%get3A_195, %get3A_196] {strides = array<i32>} : memref<8x16xf32, #tpu.memory_space<vmem>>, vector<1x16xf32>,
    %get3A_198 = vector.shape_cast %get3A_197 : vector<1x16xf32> to vector<16xf32>
    %get3A_199 = arith.constant 0 : i32
    %get3A_200 = arith.index_cast %get3A_199 : i32 to index
    %get3A_201 = arith.constant 0 : index
    %get3A_202 = tpu.vector_load %arg22[%get3A_200, %get3A_201] {strides = array<i32>} : memref<8x16xi32, #tpu.memory_space<vmem>>, vector<1x16xi32>,
    %get3A_203 = vector.shape_cast %get3A_202 : vector<1x16xi32> to vector<16xi32>
    %get3A_204 = arith.constant 1 : i32
    %get3A_205 = arith.index_cast %get3A_204 : i32 to index
    %get3A_206 = arith.constant 0 : index
    %get3A_207 = tpu.vector_load %arg22[%get3A_205, %get3A_206] {strides = array<i32>} : memref<8x16xi32, #tpu.memory_space<vmem>>, vector<1x16xi32>,
    %get3A_208 = vector.shape_cast %get3A_207 : vector<1x16xi32> to vector<16xi32>
    %get3A_209 = arith.constant 2 : i32
    %get3A_210 = arith.index_cast %get3A_209 : i32 to index
    %get3A_211 = arith.constant 0 : index
    %get3A_212 = tpu.vector_load %arg22[%get3A_210, %get3A_211] {strides = array<i32>} : memref<8x16xi32, #tpu.memory_space<vmem>>, vector<1x16xi32>,
    %get3A_213 = vector.shape_cast %get3A_212 : vector<1x16xi32> to vector<16xi32>
    %get3A_214 = arith.constant 3 : i32
    %get3A_215 = arith.index_cast %get3A_214 : i32 to index
    %get3A_216 = arith.constant 0 : index
    %get3A_217 = tpu.vector_load %arg22[%get3A_215, %get3A_216] {strides = array<i32>} : memref<8x16xi32, #tpu.memory_space<vmem>>, vector<1x16xi32>,
    %get3A_218 = vector.shape_cast %get3A_217 : vector<1x16xi32> to vector<16xi32>
    %scan3A_219 = arith.constant 0 : i32
    %scan3A_220 = arith.constant 632 : i32
    %scan3A_221 = arith.addi %scan3A_219, %scan3A_220 : i32
    %scan3A_222 = arith.constant 1 : i32
    scf.for %scan3A_224 = %scan3A_219 to %scan3A_221 step %scan3A_222  : i32 {
      %get3A_225 = arith.index_cast %scan3A_224 : i32 to index
      %get3A_226 = arith.constant 0 : index
      %get3A_227 = tpu.vector_load %arg19[%get3A_225, %get3A_226] {strides = array<i32>} : memref<632x16xf32, #tpu.memory_space<vmem>>, vector<1x16xf32>,
      %get3A_228 = vector.shape_cast %get3A_227 : vector<1x16xf32> to vector<16xf32>
      %reshape3A = vector.shape_cast %get3A_203 : vector<16xi32> to vector<16x1xi32>
      %gather3A = vector.shape_cast %reshape3A : vector<16x1xi32> to vector<16xi32>
      %gather3A_229 = tpu.dynamic_gather %get3A_228[%gather3A] in [0] : vector<16xf32>, vector<16xi32> -> vector<16xf32>
      %reshape3A_230 = vector.shape_cast %get3A_208 : vector<16xi32> to vector<16x1xi32>
      %gather3A_231 = vector.shape_cast %reshape3A_230 : vector<16x1xi32> to vector<16xi32>
      %gather3A_232 = tpu.dynamic_gather %get3A_228[%gather3A_231] in [0] : vector<16xf32>, vector<16xi32> -> vector<16xf32>
      %reshape3A_233 = vector.shape_cast %get3A_213 : vector<16xi32> to vector<16x1xi32>
      %gather3A_234 = vector.shape_cast %reshape3A_233 : vector<16x1xi32> to vector<16xi32>
      %gather3A_235 = tpu.dynamic_gather %get3A_228[%gather3A_234] in [0] : vector<16xf32>, vector<16xi32> -> vector<16xf32>
      %reshape3A_236 = vector.shape_cast %get3A_218 : vector<16xi32> to vector<16x1xi32>
      %gather3A_237 = vector.shape_cast %reshape3A_236 : vector<16x1xi32> to vector<16xi32>
      %gather3A_238 = tpu.dynamic_gather %get3A_228[%gather3A_237] in [0] : vector<16xf32>, vector<16xi32> -> vector<16xf32>
      %max3A = arith.constant 1.000000e+00 : f32
      %max3A_239 = vector.broadcast %max3A : f32 to vector<16xf32>
      %max3A_240 = arith.maximumf %gather3A_238, %max3A_239 : vector<16xf32>
      %div3A = arith.constant 1.000000e+00 : f32
      %div3A_241 = vector.broadcast %div3A : f32 to vector<16xf32>
      %div3A_242 = arith.divf %div3A_241, %max3A_240 : vector<16xf32>
      %mul3A_243 = arith.mulf %gather3A_229, %get3A_178 : vector<16xf32>
      %mul3A_244 = arith.mulf %gather3A_232, %get3A_183 : vector<16xf32>
      %add3A = arith.addf %mul3A_243, %mul3A_244 : vector<16xf32>
      %mul3A_245 = arith.mulf %gather3A_235, %get3A_188 : vector<16xf32>
      %add3A_246 = arith.addf %add3A, %mul3A_245 : vector<16xf32>
      %mul3A_247 = arith.mulf %gather3A_238, %get3A_193 : vector<16xf32>
      %add3A_248 = arith.addf %add3A_246, %mul3A_247 : vector<16xf32>
      %get3A_249 = arith.index_cast %scan3A_224 : i32 to index
      %get3A_250 = arith.constant 0 : index
      %get3A_251 = tpu.vector_load %arg20[%get3A_249, %get3A_250] {strides = array<i32>} : memref<632x16xf32, #tpu.memory_space<vmem>>, vector<1x16xf32>,
      %get3A_252 = vector.shape_cast %get3A_251 : vector<1x16xf32> to vector<16xf32>
      %mul3A_253 = arith.mulf %div3A_242, %add3A_248 : vector<16xf32>
      %add3A_254 = arith.addf %get3A_252, %mul3A_253 : vector<16xf32>
      %add3A_255 = arith.addf %add3A_254, %get3A_198 : vector<16xf32>
      %swap3A = arith.index_cast %scan3A_224 : i32 to index
      %swap3A_256 = arith.constant 0 : index
      %swap3A_257 = tpu.vector_load %arg20[%swap3A, %swap3A_256] {strides = array<i32>} : memref<632x16xf32, #tpu.memory_space<vmem>>, vector<1x16xf32>,
      %swap3A_258 = vector.shape_cast %swap3A_257 : vector<1x16xf32> to vector<16xf32>
      %swap3A_259 = vector.shape_cast %add3A_255 : vector<16xf32> to vector<1x16xf32>
      tpu.vector_store %arg20[%swap3A, %swap3A_256], %swap3A_259 {strides = array<i32>} : memref<632x16xf32, #tpu.memory_space<vmem>>, vector<1x16xf32>,
    }
    %scan3A_223 = arith.constant 632 : i32
    "tpu.region"() ({
      %run_scoped3A = tpu.sem_alloc : memref<!tpu.dma_semaphore, #tpu.memory_space<semaphore_mem>>
      %dma_start3A_224 = arith.constant 0 : i32
      %dma_start3A_225 = tpu.memref_slice %arg8[%arg0, %mul3A_0, %dma_start3A_224] : memref<2x10112x16xf32, #tpu.memory_space<hbm>> -> memref<1x632x16xf32, #tpu.memory_space<hbm>>
      %dma_start3A_226 = tpu.memref_squeeze %dma_start3A_225 : memref<1x632x16xf32, #tpu.memory_space<hbm>> -> memref<632x16xf32, #tpu.memory_space<hbm>>
      %dma_start3A_227 = arith.constant 0 : i32
      %dma_start3A_228 = tpu.memref_slice %arg8[%arg0, %mul3A_0, %dma_start3A_227] : memref<2x10112x16xf32, #tpu.memory_space<hbm>> -> memref<1x632x16xf32, #tpu.memory_space<hbm>>
      %dma_start3A_229 = tpu.memref_squeeze %dma_start3A_228 : memref<1x632x16xf32, #tpu.memory_space<hbm>> -> memref<632x16xf32, #tpu.memory_space<hbm>>
      tpu.enqueue_dma source(%arg20 : memref<632x16xf32, #tpu.memory_space<vmem>>) target(%dma_start3A_229 : memref<632x16xf32, #tpu.memory_space<hbm>>) target_semaphore(%run_scoped3A : memref<!tpu.dma_semaphore, #tpu.memory_space<semaphore_mem>>)
      %dma_wait3A = arith.constant 0 : i32
      %dma_wait3A_230 = tpu.memref_slice %arg8[%arg0, %mul3A_0, %dma_wait3A] : memref<2x10112x16xf32, #tpu.memory_space<hbm>> -> memref<1x632x16xf32, #tpu.memory_space<hbm>>
      %dma_wait3A_231 = tpu.memref_squeeze %dma_wait3A_230 : memref<1x632x16xf32, #tpu.memory_space<hbm>> -> memref<632x16xf32, #tpu.memory_space<hbm>>
      %dma_wait3A_232 = arith.constant 0 : i32
      %dma_wait3A_233 = tpu.memref_slice %arg8[%arg0, %mul3A_0, %dma_wait3A_232] : memref<2x10112x16xf32, #tpu.memory_space<hbm>> -> memref<1x632x16xf32, #tpu.memory_space<hbm>>
      %dma_wait3A_234 = tpu.memref_squeeze %dma_wait3A_233 : memref<1x632x16xf32, #tpu.memory_space<hbm>> -> memref<632x16xf32, #tpu.memory_space<hbm>>
      tpu.wait_dma2 semaphore(%run_scoped3A : memref<!tpu.dma_semaphore, #tpu.memory_space<semaphore_mem>>) src(%arg20 : memref<632x16xf32, #tpu.memory_space<vmem>>) dst(%dma_wait3A_234 : memref<632x16xf32, #tpu.memory_space<hbm>>)
      tpu.yield
    }) : () -> ()
    return
  }
}

</mosaic_0001>

<sc_bundles>
// kernel: kernel.3.cloned.1.call-start
scs
__scs_entry_jumppad:
0x0: {  	(pc) =	sbr.rel $0x88, $3  }
0x1: {  	(tag) =	ssettag $0x0;
	lr =	simm.s32 $0x1  }
0x2: {  	[smem:$0x3F9B] =	sst lr;
	_ =	strace $0xD0000000  }
0x3: {  	_ = 	snop  }
0x4: {  	_ = 	snop  }
0x5: {  	_ = 	snop  }
0x6: {  	_ = 	snop  }
0x7: {  	_ = 	snop  }
__scs_overlays_trampoline_lowered:
0x8: {  	[smem:$0x3FAA] =	sst s0  }
0x9: {  	[smem:$0x3FAB] =	sst s1  }
0xa: {  	[smem:$0x3FAC] =	sst s2  }
0xb: {  	[smem:$0x3FAD] =	sst s3  }
0xc: {  	[smem:$0x3FAE] =	sst s4  }
0xd: {  	[smem:$0x3FAF] =	sst s5  }
0xe: {  	[smem:$0x3FB0] =	sst s6  }
0xf: {  	[smem:$0x3FB1] =	sst s7  }
0x10: {  	[smem:$0x3FB2] =	sst s8  }
0x11: {  	[smem:$0x3FB3] =	sst s9;
	s0 =	simm.s32 @!p0 $0x0  }
0x12: {  	s1 =	sld [smem:$0x3F99];
	s0 =	simm.s32 @p0 $0x1  }
0x13: {  	[smem:$0x3FB4] =	sst s0;
	s0 =	simm.s32 @!p1 $0x0  }
0x14: {  	s2 =	sld [smem:$0x3F98];
	s0 =	simm.s32 @p1 $0x1  }
0x15: {  	[smem:$0x3FB5] =	sst s0;
	s0 =	simm.s32 @!p2 $0x0  }
0x16: {  	s3 =	sld [smem:$0x3FDB];
	s0 =	simm.s32 @p2 $0x1  }
0x17: {  	s4 =	simm.s32 $0x1BF5;
	[smem:$0x3FB7] =	sst s0  }
0x18: {  	s0 =	sld [smem:$0x3F9A];
	_ =	swait.ge [sflag:s4], $0x0  }
0x19: {  	s7 =	sld [smem:$0x3F9B]  }
0x1a: {  	s8 =	sadd.s32 $0xFFFFE003, lr  }
0x1b: {  	s9 =	sadd.s32 $0xFFFFFEF7, lr;
	s5 =	simm.s32 $0xFFFFFFFF;
	p2 =	slt.u32 s8, $0xFFFFF086  }
0x1c: {  	p1 =	slt.u32 s9, $0xF7A;
	s5 =	simm.s32 @!p2 $0x0  }
0x1d: {  	s5 =	simm.s32 @p1 $0x1;
	p0 =	seq.s32 s7, s2  }
0x1e: {  	s7 =	smul.u32 @!p0 $0xF7A, s2;
	p2 =	seq.s32 @!p0 s5, $0x0  }
0x1f: {  	s9 =	smul.u32 $0xF7A, s1;
	s8 =	simm.s32 @!p0 $0x1BF5;
	p2 =	por !p2, p0  }
0x20: {  	[sflag:s8] =	ssyncset.s32 @!p0 $0xFFFFF086;
	s6 =	sadd.s32 @!p0 s3, s7;
	s7 =	simm.s32 @!p0 $0x108  }
0x21: {  	s3 =	sadd.s32 s3, s9;
	s6 =	sadd.s32 @!p0 $0x88, s6;
	s7 =	simm.s32 @p2 $0x1082  }
0x22: {  	[simem:s7], [sflag:s8] =	dma.local @!p0 [hbm:s6], $0xF7A  }
0x23: {  	s9 =	sor.u32 $0xD0000000, s2;
	s6 =	simm.s32 $0x108;
	_ =	swait.ge @!p0 [sflag:s8], $0x0  }
0x24: {  	s3 =	sadd.s32 $0x88, s3;
	s6 =	simm.s32 @!p1 $0x1082;
	[sflag:s4] =	ssyncset.s32 $0xFFFFF086  }
0x25: {  	[simem:s6], [sflag:s4] =	dma.local [hbm:s3], $0xF7A  }
0x26: {  	[smem:$0x3F9B] =	sst s1;
	(tag) =	ssettag s2;
	_ =	strace s9  }
0x27: {  	s1 =	sld [smem:$0x3FAB]  }
0x28: {  	s2 =	sld [smem:$0x3FAC]  }
0x29: {  	s4 =	sld [smem:$0x3FAE]  }
0x2a: {  	p0 =	seq.s32 s5, $0x0;
	s5 =	sld [smem:$0x3FAF]  }
0x2b: {  	s6 =	sld [smem:$0x3FB0]  }
0x2c: {  	s7 =	sld [smem:$0x3FB1]  }
0x2d: {  	s3 =	simm.s32 $0x108;
	s8 =	sld [smem:$0x3FB2]  }
0x2e: {  	s3 =	simm.s32 @!p0 $0x1082;
	s9 =	sld [smem:$0x3FB3]  }
0x2f: {  	lr =	sadd.s32 s0, s3;
	s0 =	sld [smem:$0x3FAA]  }
0x30: {  	s3 =	sld [smem:$0x3FAD]  }
0x31: {  	[smem:$0x3FB6] =	sst s10  }
0x32: {  	s10 =	sld [smem:$0x3FB4];
	_ =	sdelay $0x3  }
0x33: {  	p0 =	seq.s32 s10, $0x1;
	s10 =	sld [smem:$0x3FB6];
	_ =	sdelay $0x3  }
0x34: {  	[smem:$0x3FB6] =	sst s10  }
0x35: {  	s10 =	sld [smem:$0x3FB5];
	_ =	sdelay $0x3  }
0x36: {  	p1 =	seq.s32 s10, $0x1;
	s10 =	sld [smem:$0x3FB6];
	_ =	sdelay $0x3  }
0x37: {  	[smem:$0x3FB6] =	sst s10  }
0x38: {  	s10 =	sld [smem:$0x3FB7]  }
0x39: {  	_ = 	snop;
	(pc) =	sbr.ind lr, $3  }
0x3a: {  	_ = 	snop  }
0x3b: {  	_ = 	snop  }
0x3c: {  	p2 =	seq.s32 s10, $0x1;
	s10 =	sld [smem:$0x3FB6]  }
0x3d: {  	_ =	shalt  }
0x3e: {  	_ =	shalt  }
0x3f: {  	_ =	shalt  }
0x40: {  	_ =	shalt  }
0x41: {  	_ =	shalt  }
0x42: {  	_ =	shalt  }
0x43: {  	_ =	shalt  }
0x44: {  	_ =	shalt  }
0x45: {  	_ =	shalt  }
0x46: {  	_ =	shalt  }
0x47: {  	_ =	shalt  }
0x48: {  	_ =	shalt  }
0x49: {  	_ =	shalt  }
0x4a: {  	_ =	shalt  }
0x4b: {  	_ =	shalt  }
0x4c: {  	_ =	shalt  }
0x4d: {  	_ =	shalt  }
0x4e: {  	_ =	shalt  }
0x4f: {  	_ =	shalt  }
0x50: {  	_ =	shalt  }
0x51: {  	_ =	shalt  }
0x52: {  	_ =	shalt  }
0x53: {  	_ =	shalt  }
0x54: {  	_ =	shalt  }
0x55: {  	_ =	shalt  }
0x56: {  	_ =	shalt  }
0x57: {  	_ =	shalt  }
0x58: {  	_ =	shalt  }
0x59: {  	_ =	shalt  }
0x5a: {  	_ =	shalt  }
0x5b: {  	_ =	shalt  }
0x5c: {  	_ =	shalt  }
0x5d: {  	_ =	shalt  }
0x5e: {  	_ =	shalt  }
0x5f: {  	_ =	shalt  }
0x60: {  	_ =	shalt  }
0x61: {  	_ =	shalt  }
0x62: {  	_ =	shalt  }
0x63: {  	_ =	shalt  }
0x64: {  	_ =	shalt  }
0x65: {  	_ =	shalt  }
0x66: {  	_ =	shalt  }
0x67: {  	_ =	shalt  }
0x68: {  	_ =	shalt  }
0x69: {  	_ =	shalt  }
0x6a: {  	_ =	shalt  }
0x6b: {  	_ =	shalt  }
0x6c: {  	_ =	shalt  }
0x6d: {  	_ =	shalt  }
0x6e: {  	_ =	shalt  }
0x6f: {  	_ =	shalt  }
0x70: {  	_ =	shalt  }
0x71: {  	_ =	shalt  }
0x72: {  	_ =	shalt  }
0x73: {  	_ =	shalt  }
0x74: {  	_ =	shalt  }
0x75: {  	_ =	shalt  }
0x76: {  	_ =	shalt  }
0x77: {  	_ =	shalt  }
0x78: {  	_ =	shalt  }
0x79: {  	_ =	shalt  }
0x7a: {  	_ =	shalt  }
0x7b: {  	_ =	shalt  }
0x7c: {  	_ =	shalt  }
0x7d: {  	_ =	shalt  }
0x7e: {  	_ =	shalt  }
0x7f: {  	_ =	shalt  }
0x80: {  	_ =	shalt  }
0x81: {  	_ =	shalt  }
0x82: {  	_ =	shalt  }
0x83: {  	_ =	shalt  }
0x84: {  	_ =	shalt  }
0x85: {  	_ =	shalt  }
0x86: {  	_ =	shalt  }
0x87: {  	_ =	shalt  }
.Lfunc_end0:
.L_simem_size_0:
called_computation_lowered:
.L_overlay_start_0:
0x88: {  	s2 =	sld [smem:$0x3FD9]  }
0x89: {  	s3 =	sld [smem:$0x3FFE];
	_ =	sdelay $0x1  }
0x8a: {  	s1 =	srdreg.scid  }
0x8b: {  	s0 =	sand.u32 $0x1, s1  }
0x8c: {  	s17 =	sshll.u32 s0, $0xA;
	s2 =	sadd.s32 s3, s2  }
0x8d: {  	s2 =	sadd.s32 s2, s17  }
0x8e: {  	[smem:$0x3FC2] =	sst s2  }
0x8f: {  	_ = 	snop  }
0x90: {  	s2 =	sld [smem:$0x3FD0];
	(tm) =	ssettm $0x1  }
0x91: {  	s18 =	sld [smem:$0x3FFB];
	_ =	sdelay $0x3  }
0x92: {  	_ =	strace s18  }
0x93: {  	s3 =	sld [smem:$0x3FFC];
	_ =	sdelay $0x3  }
0x94: {  	_ =	strace s3  }
0x95: {  	s3 =	sld [smem:$0x3FFD];
	_ =	sdelay $0x3  }
0x96: {  	_ =	strace s3  }
0x97: {  	_ =	strace $0x8FFFFFFF  }
0x98: {  	s19 =	sld [smem:$0x3FDB];
	_ =	sdelay $0x1  }
0x99: {  	s4 =	simm.s32 $_scs_section_size  }
0x9a: {  	s5 =	simm.s32 $_size__tile_overlayer_lowered;
	s6 =	simm.s32 $_tile_overlayer_lowered  }
0x9b: {  	s22 =	simm.s32 $0x1BFF;
	s21 =	sshll.u32 s6, $0x1;
	s3 =	sadd.s32 s4, s19  }
0x9c: {  	s7 =	simm.s32 $0x0;
	s20 =	sshll.u32 s5, $0x1;
	s5 =	sadd.s32 s21, s3  }
0x9d: {  	[timem:s7], [sflag:s22] =	dma.local [hbm:s5], s20  }
0x9e: {  	_ =	swait.ge [sflag:s22], s20  }
0x9f: {  	s4 =	ssub.s32 $0x0, s20;
	[sflag:s22] =	ssyncset.done $0x0  }
0xa0: {  	[sflag:s22] =	ssyncadd.s32 s4;
	_ =	sdelay $0x1  }
0xa1: {  	s23 =	simm.s32 $0x1B8B  }
0xa2: {  	_ =	swait.ge [sflag:s23], $0x1  }
0xa3: {  	[sflag:s23] =	ssyncset.done $0x0  }
0xa4: {  	s25 =	simm.s32 $0x1B8E;
	s24 =	sld [smem:$0x3FFE];
	[sflag:s23] =	ssyncadd.s32 $0xFFFFFFFF  }
0xa5: {  	s26 =	simm.s32 $execute0_lowered;
	[smem:$0x3FD2] =	sst s25  }
0xa6: {  	s5 =	sshll.u32 s26, $0x1;
	_ =	strace $0x80000046;
	[dreg:$0x1] =	wrdreg $0xFFFFFFFF  }
0xa7: {  	s28 =	simm.s32 $_size_execute0_lowered;
	s3 =	sadd.s32 s3, s5;
	[dreg:$0x0] =	wrdreg $0x0  }
0xa8: {  	s5 =	sshll.u32 s28, $0x1;
	[dreg:$0x2] =	wrdreg s3  }
0xa9: {  	[dreg:$0x3] =	wrdreg s5  }
0xaa: {  	[dreg:$0x4] =	wrdreg $0xC0  }
0xab: {  	_ =	task [dreg:s7], $0x5FFFF  }
0xac: {  	[dreg:$0x1] =	wrdreg $0xFFFFFFFF  }
0xad: {  	[dreg:$0x0] =	wrdreg $0x60  }
0xae: {  	[dreg:$0x2] =	wrdreg s24  }
0xaf: {  	[dreg:$0x3] =	wrdreg s2  }
0xb0: {  	[dreg:$0x4] =	wrdreg $0x130000  }
0xb1: {  	[dreg:$0x5] =	wrdreg $0x157800  }
0xb2: {  	[dreg:$0x6] =	wrdreg $0x9  }
0xb3: {  	_ =	task.clear_ibuf [dreg:s7], $0x7FFFF;
	_ =	strace $0x90000046  }
0xb4: {  	s29 =	simm.s32 $0x9;
	_ =	strace $0x80000048  }
0xb5: {  	_ =	swait.ge [sflag:s29], $0x1  }
0xb6: {  	[sflag:s29] =	ssyncadd.s32 $0xFFFFFFFF  }
0xb7: {  	_ =	strace $0x90000048  }
0xb8: {  	_ =	sfence  }
0xb9: {  	s30 =	sld [smem:$0x0];
	_ =	sdelay $0x2  }
0xba: {  	s31 =	sshll.u32 s1, $0xD;
	s1 =	sshrl.u32 s1, $0x2  }
0xbb: {  	s3 =	sand.u32 $0x4000, s31;
	s1 =	sadd.s32 s1, s30  }
0xbc: {  	s0 =	sor.u32 s3, s0;
	s1 =	sshll.u32 s1, $0x11  }
0xbd: {  	s0 =	sor.u32 s1, s0  }
0xbe: {  	s0 =	sadd.s32 $0x8F2B, s0  }
0xbf: {  	[sflag:s0] =	ssyncadd.remote.s32 $0x1  }
0xc0: {  	_ =	sfence.sel $0xFFFF  }
0xc1: {  	[dreg:$0x0] =	wrdreg $0xFFFFFFFF;
	(pc) =	sbr.abs _section_cstart, $3  }
0xc2: {  	[dreg:$0x1] =	wrdreg $0xFFFFFFFF  }
0xc3: {  	_ =	task.clear_ibuf [dreg:s7], $0x2FFFF;
	_ =	strace $0x9FFFFFFF  }
0xc4: {  	(tm) =	ssettm $0x7FFFFFFF  }
0xc5: {  	_ =	shalt  }
tec
execute0_lowered:
.L_overlay_start_1:
0x0: {  	(tag) =	ssettag $0x1  }
0x1: {  	s0 =	rddreg [dreg:$0x0]  }
0x2: {  	s1 =	rddreg [dreg:$0x1]  }
0x3: {  	s2 =	rddreg [dreg:$0x2]  }
0x4: {  	s3 =	rddreg [dreg:$0x3];
	s7 =	stileid.u32  }
0x5: {  	s6 =	srdreg.scid;
	s4 =	simm.s32 $0x0;
	s15 =	simm.s32 $0x9  }
0x6: {  	s19 =	simm.s32 $0x10780;
	s20 =	simm.s32 $0xE000;
	s21 =	simm.s32 $0x80  }
0x7: {  	s22 =	simm.s32 $0xA000;
	s30 =	simm.s32 $0xC000;
	s16 =	simm.s32 $0xD000  }
0x8: {  	s18 =	simm.s32 $0xD800;
	s13 =	simm.s32 $0x0;
	s5 =	smul.u32 $0xA00, s7  }
0x9: {  	s6 =	sand.u32 $0x1, s6;
	s7 =	smul.u32 $0x2780, s7;
	[smem:$0x7FF] =	sst s4  }
0xa: {  	s9 =	sadd.s32 $0xA800, s0;
	s10 =	sadd.s32 $0xAA00, s0;
	s8 =	smul.u32 $0x27800, s6  }
0xb: {  	_ =	strace $0x80000047;
	s6 =	ssub.s32 $0x2, s6;
	[dreg:$0x5] =	wrdreg s9  }
0xc: {  	[dreg:$0x6] =	wrdreg s10;
	s9 =	simm.s32 $0x8;
	s5 =	sadd.s32 s5, s0  }
0xd: {  	s25 =	sshrl.u32 s6, $0x1;
	s28 =	sshrl.u32 s7, $0x3;
	s10 =	sadd.s32 s7, s2  }
0xe: {  	s12 =	sadd.s32 s7, s3;
	s8 =	sadd.s32 s7, s8;
	s6 =	ssub.s32 s6, s25  }
0xf: {  	s26 =	sadd.s32 $0x14C00, s5;
	s5 =	sadd.s32 $0xAC00, s5;
	s11 =	sadd.s32 s1, s28  }
0x10: {  	s25 =	simm.s32 $0xB000;
	s8 =	sshrl.u32 s8, $0x3;
	[dreg:$0x7] =	wrdreg s26  }
0x11: {  	[dreg:$0x8] =	wrdreg s5;
	s31 =	smax.u32 s6, $0x1;
	s0 =	sadd.s32 s8, s0  }
0x12: {  	s7 =	simm.s32 $0x5;
	[dreg:$0xb] =	wrdreg s31;
	s29 =	sadd.s32 $0xA00, s0  }
0x13: {  	s5 =	simm.s32 $0x1;
	s0 =	sadd.s32 $0x1EC00, s0;
	[dreg:$0x9] =	wrdreg s29  }
0x14: {  	s6 =	simm.s32 $0x3;
	s8 =	simm.s32 $0x7;
	[dreg:$0xa] =	wrdreg s0  }
.LBB2_1:
0x15: {  	s0 =	rddreg [dreg:$0x7]  }
0x16: {  	[tilespmem:s4], [sflag:$0x9] =	stream.linear.gather [hbm4b:s0+s4], $0x5000, $0x38;
	[tilespmem:$0x17F00] =	vst v63  }
0x17: {  	_ =	swait.ge [sflag:s15], $0x5000  }
0x18: {  	[sflag:s15] =	ssyncset.done $0x0  }
0x19: {  	s1 =	simm.s32 $0x5000;
	s23 =	rddreg [dreg:$0x8];
	[sflag:s15] =	ssyncadd.s32 $0xFFFFB000  }
0x1a: {  	[tilespmem:s1], [sflag:$0x9] =	stream.linear.gather [hbm4b:s23+s4], $0x5000, $0x38;
	[tilespmem:$0x17F00] =	vst v63  }
0x1b: {  	_ =	swait.ge [sflag:s15], $0x5000  }
0x1c: {  	[sflag:s15] =	ssyncset.done $0x0  }
0x1d: {  	s26 =	simm.s32 $0x12F00;
	s24 =	rddreg [dreg:$0x5];
	[sflag:s15] =	ssyncadd.s32 $0xFFFFB000  }
0x1e: {  	[tilespmem:s26], [sflag:$0x9] =	stream.linear.gather [hbm4b:s24+s4], $0x80, $0x38;
	[tilespmem:$0x17F00] =	vst v63  }
0x1f: {  	_ =	swait.ge [sflag:s15], $0x80  }
0x20: {  	[sflag:s15] =	ssyncset.done $0x0  }
0x21: {  	s29 =	simm.s32 $0x12F80;
	s28 =	rddreg [dreg:$0x6];
	[sflag:s15] =	ssyncadd.s32 $0xFFFFFF80  }
0x22: {  	[tilespmem:s29], [sflag:$0x9] =	stream.linear.gather [hbm4b:s28+s4], $0x80, $0x38;
	[tilespmem:$0x17F00] =	vst v63  }
0x23: {  	_ =	swait.ge [sflag:s15], $0x80  }
0x24: {  	[sflag:s15] =	ssyncset.done $0x0  }
0x25: {  	s31 =	rddreg [dreg:$0x9];
	[sflag:s15] =	ssyncadd.s32 $0xFFFFFF80  }
0x26: {  	[tilespmem:s19], [sflag:$0x9] =	stream.linear.gather [hbm4b:s31+s4], $0x2780, $0x38;
	[tilespmem:$0x17F00] =	vst v63  }
0x27: {  	_ =	swait.ge [sflag:s15], $0x2780  }
0x28: {  	[sflag:s15] =	ssyncset.done $0x0  }
0x29: {  	[sflag:s15] =	ssyncadd.s32 $0xFFFFD880  }
0x2a: {  	[spmem:s10] =	stream.linear.scatter [tilespmem:s19], [sflag:$0x9], $0x2780, $0x38;
	[tilespmem:$0x17F00] =	vst v63  }
0x2b: {  	_ =	swait.ge [sflag:s15], $0x2780  }
0x2c: {  	[sflag:s15] =	ssyncset.done $0x0  }
0x2d: {  	[sflag:s15] =	ssyncadd.s32 $0xFFFFD880  }
0x2e: {  	[tilespmem:s20], [sflag:$0x9] =	stream.linear.gather [hbm4b:s11+s4], $0x2780, $0x38;
	[tilespmem:$0x17F00] =	vst v63  }
0x2f: {  	_ =	swait.ge [sflag:s15], $0x2780  }
0x30: {  	[sflag:s15] =	ssyncset.done $0x0  }
0x31: {  	[sflag:s15] =	ssyncadd.s32 $0xFFFFD880  }
0x32: {  	[spmem:s12] =	stream.linear.scatter [tilespmem:s20], [sflag:$0x9], $0x2780, $0x38;
	[tilespmem:$0x17F00] =	vst v63  }
0x33: {  	_ =	swait.ge [sflag:s15], $0x2780  }
0x34: {  	[sflag:s15] =	ssyncset.done $0x0  }
0x35: {  	[sflag:s15] =	ssyncadd.s32 $0xFFFFD880  }
0x36: {  	[bflag:$0x0] =	sbarrier.arrive $0xFFFF  }
0x37: {  	[tilespmem:s22], [sflag:$0x1] =	stream.indirect.gather [spmem:s2], $0x10, s4, s21, $0xb8;
	[tilespmem:$0x17F00] =	vst v63  }
0x38: {  	s1 =	simm.s32 $0xA800  }
0x39: {  	[tilespmem:s1], [sflag:$0x2] =	stream.indirect.gather [spmem:s2], $0x10, s21, s21, $0xb8;
	[tilespmem:$0x17F00] =	vst v63  }
0x3a: {  	s14 =	simm.s32 $0x100  }
0x3b: {  	[tilespmem:s25], [sflag:$0x3] =	stream.indirect.gather [spmem:s2], $0x10, s14, s21, $0xb8;
	[tilespmem:$0x17F00] =	vst v63  }
0x3c: {  	s17 =	simm.s32 $0x180;
	s23 =	simm.s32 $0xB800  }
0x3d: {  	[tilespmem:s23], [sflag:$0x4] =	stream.indirect.gather [spmem:s2], $0x10, s17, s21, $0xb8;
	[tilespmem:$0x17F00] =	vst v63  }
0x3e: {  	s24 =	simm.s32 $0x200  }
0x3f: {  	[tilespmem:s30], [sflag:$0x5] =	stream.indirect.gather [spmem:s2], $0x10, s24, s21, $0xb8;
	[tilespmem:$0x17F00] =	vst v63  }
0x40: {  	s26 =	simm.s32 $0x280;
	s28 =	simm.s32 $0xC800  }
0x41: {  	[tilespmem:s28], [sflag:$0x6] =	stream.indirect.gather [spmem:s2], $0x10, s26, s21, $0xb8;
	[tilespmem:$0x17F00] =	vst v63  }
0x42: {  	s29 =	simm.s32 $0x300  }
0x43: {  	[tilespmem:s16], [sflag:$0x7] =	stream.indirect.gather [spmem:s2], $0x10, s29, s21, $0xb8;
	[tilespmem:$0x17F00] =	vst v63  }
0x44: {  	s31 =	simm.s32 $0x380;
	s23 =	simm.s32 $0x0  }
0x45: {  	[tilespmem:s18], [sflag:$0x8] =	stream.indirect.gather [spmem:s2], $0x10, s31, s21, $0xb8;
	[tilespmem:$0x17F00] =	vst v63  }
.LBB2_2:
0x46: {  	_ =	swait.ge [sflag:s5], $0x800  }
0x47: {  	s14 =	sshra.s32 s23, $0x2;
	[sflag:s5] =	ssyncset.done $0x0  }
0x48: {  	s0 =	sadd.s32 $0x5000, s14;
	[sflag:s5] =	ssyncadd.s32 $0xFFFFF800  }
0x49: {  	[spmem:s3] =	stream.indirect.scatter.add.f32 [tilespmem:s22], [sflag:$0x9], $0x10, s0, s21, $0xb8;
	[tilespmem:$0x17F00] =	vst v63  }
0x4a: {  	_ =	swait.ge [sflag:s15], $0x800  }
0x4b: {  	p0 =	seq.s32 s23, $0x13000;
	[sflag:s15] =	ssyncset.done $0x0  }
0x4c: {  	s0 =	simm.s32 @p0 $0x2;
	[sflag:s15] =	ssyncadd.s32 $0xFFFFF800  }
0x4d: {  	s28 =	sshra.s32 @p0 s23, $0x2;
	_ =	swait.ge @p0 [sflag:s0], $0x800  }
0x4e: {  	s29 =	simm.s32 @p0 $0x80;
	s24 =	simm.s32 @p0 $0xA800;
	[sflag:s0] =	ssyncset.done @p0 $0x0  }
0x4f: {  	s31 =	simm.s32 @p0 $0x9;
	[sflag:s0] =	ssyncadd.s32 @p0 $0xFFFFF800;
	s0 =	sadd.s32 @p0 $0x5080, s28  }
0x50: {  	[spmem:s3] =	stream.indirect.scatter.add.f32 @p0 [tilespmem:s24], [sflag:$0x9], $0x10, s0, s29, $0xb8;
	[tilespmem:$0x17F00] =	vst v63  }
0x51: {  	_ =	swait.ge @p0 [sflag:s31], $0x800  }
0x52: {  	s26 =	simm.s32 @!p0 $0x80;
	s24 =	sshra.s32 @!p0 s23, $0x2;
	[sflag:s31] =	ssyncset.done @p0 $0x0  }
0x53: {  	s1 =	simm.s32 @!p0 $0xA000;
	s0 =	sadd.s32 @!p0 $0x400, s24;
	[sflag:s31] =	ssyncadd.s32 @p0 $0xFFFFF800  }
0x54: {  	[tilespmem:s1], [sflag:$0x1] =	stream.indirect.gather @!p0 [spmem:s2], $0x10, s0, s26, $0xb8;
	[tilespmem:$0x17F00] =	vst v63  }
0x55: {  	s0 =	simm.s32 @!p0 $0x2  }
0x56: {  	_ =	swait.ge @!p0 [sflag:s0], $0x800  }
0x57: {  	[sflag:s0] =	ssyncset.done @!p0 $0x0  }
0x58: {  	s1 =	simm.s32 @!p0 $0xA800;
	[sflag:s0] =	ssyncadd.s32 @!p0 $0xFFFFF800;
	s0 =	sadd.s32 @!p0 $0x5080, s24  }
0x59: {  	[spmem:s3] =	stream.indirect.scatter.add.f32 @!p0 [tilespmem:s1], [sflag:$0x9], $0x10, s0, s26, $0xb8;
	[tilespmem:$0x17F00] =	vst v63  }
0x5a: {  	s0 =	simm.s32 @!p0 $0x9  }
0x5b: {  	_ =	swait.ge @!p0 [sflag:s0], $0x800  }
0x5c: {  	[sflag:s0] =	ssyncset.done @!p0 $0x0  }
0x5d: {  	s17 =	sadd.s32 @!p0 $0x480, s24;
	[sflag:s0] =	ssyncadd.s32 @!p0 $0xFFFFF800  }
0x5e: {  	[tilespmem:s1], [sflag:$0x2] =	stream.indirect.gather @!p0 [spmem:s2], $0x10, s17, s26, $0xb8;
	[tilespmem:$0x17F00] =	vst v63  }
0x5f: {  	_ =	swait.ge [sflag:s6], $0x800  }
0x60: {  	[sflag:s6] =	ssyncset.done $0x0  }
0x61: {  	s17 =	sadd.s32 $0x5100, s14;
	[sflag:s6] =	ssyncadd.s32 $0xFFFFF800  }
0x62: {  	[spmem:s3] =	stream.indirect.scatter.add.f32 [tilespmem:s25], [sflag:$0x9], $0x10, s17, s21, $0xb8;
	[tilespmem:$0x17F00] =	vst v63  }
0x63: {  	_ =	swait.ge [sflag:s15], $0x800  }
0x64: {  	[sflag:s15] =	ssyncset.done $0x0  }
0x65: {  	s1 =	simm.s32 @p0 $0x4;
	[sflag:s15] =	ssyncadd.s32 $0xFFFFF800  }
0x66: {  	_ =	swait.ge @p0 [sflag:s1], $0x800  }
0x67: {  	[sflag:s1] =	ssyncset.done @p0 $0x0  }
0x68: {  	s17 =	simm.s32 @p0 $0xB800;
	[sflag:s1] =	ssyncadd.s32 @p0 $0xFFFFF800;
	s1 =	sadd.s32 @p0 $0x5180, s28  }
0x69: {  	[spmem:s3] =	stream.indirect.scatter.add.f32 @p0 [tilespmem:s17], [sflag:$0x9], $0x10, s1, s29, $0xb8;
	[tilespmem:$0x17F00] =	vst v63  }
0x6a: {  	_ =	swait.ge @p0 [sflag:s31], $0x800  }
0x6b: {  	[sflag:s31] =	ssyncset.done @p0 $0x0  }
0x6c: {  	s1 =	sadd.s32 @!p0 $0x500, s24;
	s17 =	simm.s32 @!p0 $0xB000;
	[sflag:s31] =	ssyncadd.s32 @p0 $0xFFFFF800  }
0x6d: {  	[tilespmem:s17], [sflag:$0x3] =	stream.indirect.gather @!p0 [spmem:s2], $0x10, s1, s26, $0xb8;
	[tilespmem:$0x17F00] =	vst v63  }
0x6e: {  	s1 =	simm.s32 @!p0 $0x4  }
0x6f: {  	_ =	swait.ge @!p0 [sflag:s1], $0x800  }
0x70: {  	[sflag:s1] =	ssyncset.done @!p0 $0x0  }
0x71: {  	s17 =	simm.s32 @!p0 $0xB800;
	[sflag:s1] =	ssyncadd.s32 @!p0 $0xFFFFF800;
	s1 =	sadd.s32 @!p0 $0x5180, s24  }
0x72: {  	[spmem:s3] =	stream.indirect.scatter.add.f32 @!p0 [tilespmem:s17], [sflag:$0x9], $0x10, s1, s26, $0xb8;
	[tilespmem:$0x17F00] =	vst v63  }
0x73: {  	_ =	swait.ge @!p0 [sflag:s0], $0x800  }
0x74: {  	[sflag:s0] =	ssyncset.done @!p0 $0x0  }
0x75: {  	s1 =	sadd.s32 @!p0 $0x580, s24;
	[sflag:s0] =	ssyncadd.s32 @!p0 $0xFFFFF800  }
0x76: {  	[tilespmem:s17], [sflag:$0x4] =	stream.indirect.gather @!p0 [spmem:s2], $0x10, s1, s26, $0xb8;
	[tilespmem:$0x17F00] =	vst v63  }
0x77: {  	_ =	swait.ge [sflag:s7], $0x800  }
0x78: {  	[sflag:s7] =	ssyncset.done $0x0  }
0x79: {  	s17 =	sadd.s32 $0x5200, s14;
	[sflag:s7] =	ssyncadd.s32 $0xFFFFF800  }
0x7a: {  	[spmem:s3] =	stream.indirect.scatter.add.f32 [tilespmem:s30], [sflag:$0x9], $0x10, s17, s21, $0xb8;
	[tilespmem:$0x17F00] =	vst v63  }
0x7b: {  	_ =	swait.ge [sflag:s15], $0x800  }
0x7c: {  	[sflag:s15] =	ssyncset.done $0x0  }
0x7d: {  	s1 =	simm.s32 @p0 $0x6;
	[sflag:s15] =	ssyncadd.s32 $0xFFFFF800  }
0x7e: {  	_ =	swait.ge @p0 [sflag:s1], $0x800  }
0x7f: {  	[sflag:s1] =	ssyncset.done @p0 $0x0  }
0x80: {  	s17 =	simm.s32 @p0 $0xC800;
	[sflag:s1] =	ssyncadd.s32 @p0 $0xFFFFF800;
	s1 =	sadd.s32 @p0 $0x5280, s28  }
0x81: {  	[spmem:s3] =	stream.indirect.scatter.add.f32 @p0 [tilespmem:s17], [sflag:$0x9], $0x10, s1, s29, $0xb8;
	[tilespmem:$0x17F00] =	vst v63  }
0x82: {  	_ =	swait.ge @p0 [sflag:s31], $0x800  }
0x83: {  	[sflag:s31] =	ssyncset.done @p0 $0x0  }
0x84: {  	s1 =	sadd.s32 @!p0 $0x600, s24;
	s17 =	simm.s32 @!p0 $0xC000;
	[sflag:s31] =	ssyncadd.s32 @p0 $0xFFFFF800  }
0x85: {  	[tilespmem:s17], [sflag:$0x5] =	stream.indirect.gather @!p0 [spmem:s2], $0x10, s1, s26, $0xb8;
	[tilespmem:$0x17F00] =	vst v63  }
0x86: {  	s1 =	simm.s32 @!p0 $0x6  }
0x87: {  	_ =	swait.ge @!p0 [sflag:s1], $0x800  }
0x88: {  	[sflag:s1] =	ssyncset.done @!p0 $0x0  }
0x89: {  	s17 =	simm.s32 @!p0 $0xC800;
	[sflag:s1] =	ssyncadd.s32 @!p0 $0xFFFFF800;
	s1 =	sadd.s32 @!p0 $0x5280, s24  }
0x8a: {  	[spmem:s3] =	stream.indirect.scatter.add.f32 @!p0 [tilespmem:s17], [sflag:$0x9], $0x10, s1, s26, $0xb8;
	[tilespmem:$0x17F00] =	vst v63  }
0x8b: {  	_ =	swait.ge @!p0 [sflag:s0], $0x800  }
0x8c: {  	[sflag:s0] =	ssyncset.done @!p0 $0x0  }
0x8d: {  	[sflag:s0] =	ssyncadd.s32 @!p0 $0xFFFFF800;
	s0 =	sadd.s32 @!p0 $0x680, s24  }
0x8e: {  	[tilespmem:s17], [sflag:$0x6] =	stream.indirect.gather @!p0 [spmem:s2], $0x10, s0, s26, $0xb8;
	[tilespmem:$0x17F00] =	vst v63  }
0x8f: {  	_ =	swait.ge [sflag:s8], $0x800  }
0x90: {  	[sflag:s8] =	ssyncset.done $0x0  }
.Ltmp0:
0x91: {  	s31 =	sadd.s32 $0x5300, s14;
	[sflag:s8] =	ssyncadd.s32 $0xFFFFF800;
	(pc) =	sbr.rel @p0 .LBB2_4-.Ltmp0, $4  }
0x92: {  	[spmem:s3] =	stream.indirect.scatter.add.f32 [tilespmem:s16], [sflag:$0x9], $0x10, s31, s21, $0xb8;
	[tilespmem:$0x17F00] =	vst v63  }
0x93: {  	_ =	swait.ge [sflag:s15], $0x800  }
0x94: {  	[sflag:s15] =	ssyncset.done $0x0  }
0x95: {  	s0 =	sadd.s32 $0x5380, s14;
	[sflag:s15] =	ssyncadd.s32 $0xFFFFF800  }
0x96: {  	s1 =	sadd.s32 $0x700, s14  }
0x97: {  	[tilespmem:s16], [sflag:$0x7] =	stream.indirect.gather [spmem:s2], $0x10, s1, s21, $0xb8;
	[tilespmem:$0x17F00] =	vst v63  }
0x98: {  	_ =	swait.ge [sflag:s9], $0x800  }
0x99: {  	[sflag:s9] =	ssyncset.done $0x0  }
0x9a: {  	[sflag:s9] =	ssyncadd.s32 $0xFFFFF800  }
0x9b: {  	[spmem:s3] =	stream.indirect.scatter.add.f32 [tilespmem:s18], [sflag:$0x9], $0x10, s0, s21, $0xb8;
	[tilespmem:$0x17F00] =	vst v63  }
.Ltmp1:
0x9c: {  	_ = 	snop;
	(pc) =	sbr.rel .LBB2_2-.Ltmp1, $4  }
0x9d: {  	_ =	swait.ge [sflag:s15], $0x800  }
0x9e: {  	[sflag:s15] =	ssyncset.done $0x0  }
0x9f: {  	s31 =	sadd.s32 $0x780, s14;
	s23 =	sadd.s32 $0x1000, s23;
	[sflag:s15] =	ssyncadd.s32 $0xFFFFF800  }
0xa0: {  	[tilespmem:s18], [sflag:$0x8] =	stream.indirect.gather [spmem:s2], $0x10, s31, s21, $0xb8;
	[tilespmem:$0x17F00] =	vst v63  }
.LBB2_4:
0xa1: {  	_ =	swait.ge [sflag:s9], $0x800  }
0xa2: {  	[sflag:s9] =	ssyncset.done $0x0  }
0xa3: {  	[sflag:s9] =	ssyncadd.s32 $0xFFFFF800  }
0xa4: {  	[spmem:s3] =	stream.indirect.scatter.add.f32 [tilespmem:s18], [sflag:$0x9], $0x10, s0, s21, $0xb8;
	[tilespmem:$0x17F00] =	vst v63  }
0xa5: {  	_ =	swait.ge [sflag:s15], $0x800  }
0xa6: {  	[sflag:s15] =	ssyncset.done $0x0  }
0xa7: {  	[sflag:s15] =	ssyncadd.s32 $0xFFFFF800  }
0xa8: {  	[bflag:$0x0] =	sbarrier.arrive $0xFFFF  }
0xa9: {  	[tilespmem:s20], [sflag:$0x9] =	stream.linear.gather [spmem:s12], $0x2780, $0x38;
	[tilespmem:$0x17F00] =	vst v63  }
0xaa: {  	_ =	swait.ge [sflag:s15], $0x2780  }
0xab: {  	[sflag:s15] =	ssyncset.done $0x0  }
0xac: {  	[sflag:s15] =	ssyncadd.s32 $0xFFFFD880  }
0xad: {  	[tilespmem:s19], [sflag:$0x9] =	stream.linear.gather [spmem:s10], $0x2780, $0x38;
	[tilespmem:$0x17F00] =	vst v63  }
0xae: {  	_ =	swait.ge [sflag:s15], $0x2780  }
0xaf: {  	[sflag:s15] =	ssyncset.done $0x0  }
0xb0: {  	[sflag:s15] =	ssyncadd.s32 $0xFFFFD880  }
0xb1: {  	s23 =	simm.s32 $0x0;
	v1 =	vld [tilespmem:$0x12FB0]  }
0xb2: {  	v7 =	vld [tilespmem:s23+$0xE000]  }
0xb3: {  	v2 =	vld [tilespmem:$0x12F80]  }
0xb4: {  	v3 =	vld [tilespmem:$0x12F90]  }
0xb5: {  	v5 =	vld [tilespmem:$0x12FA0]  }
0xb6: {  	v0 =	vld [tilespmem:$0x12F00];
	v6 =	vand.u32 $0xF, v1  }
0xb7: {  	v1 =	vld [tilespmem:$0x12F10];
	v9 =	vperm.xlane v7, v6  }
0xb8: {  	v4 =	vand.u32 $0xF, v2  }
0xb9: {  	s14 =	simm.s32 $0x10;
	v2 =	vld [tilespmem:$0x12F20];
	v8 =	vand.u32 $0xF, v3;
	v10 =	vperm.xlane v7, v4;
	v11 =	vmax.f32 v9, $1.000000000e+00  }
0xba: {  	v14 =	vld [tilespmem:s14+$0xE000];
	v5 =	vand.u32 $0xF, v5;
	v12 =	vperm.xlane v7, v8;
	(erf) = vrcp.f32 v11  }
0xbb: {  	v3 =	vld [tilespmem:$0x12F30];
	v7 =	vperm.xlane v7, v5  }
0xbc: {  	v10 =	vmul.f32 v10, v0;
	v11 =	vmul.f32 v12, v1;
	_ =	sdelay $0x1  }
0xbd: {  	v7 =	vmul.f32 v7, v2;
	v10 =	vadd.f32 v11, v10;
	_ =	sdelay $0x1  }
0xbe: {  	v7 =	vadd.f32 v7, v10;
	v10 =	vmul.f32 v9, v3;
	v9 =	vperm.xlane v14, v6;
	_ =	sdelay $0x1  }
0xbf: {  	v13 =	vadd.f32 v10, v7;
	v10 =	vmax.f32 v9, $1.000000000e+00  }
0xc0: {  	v15 =	vpop (erf);
	(erf) = vrcp.f32 v10;
	v10 =	vld [tilespmem:s23+$0x10780];
	_ =	sdelay $0x1  }
0xc1: {  	v12 =	vperm.xlane v14, v8;
	v7 =	vld [tilespmem:$0x12F40]  }
0xc2: {  	v11 =	vperm.xlane v14, v4;
	v13 =	vmul.f32 v13, v15  }
0xc3: {  	s24 =	simm.s32 $0xC0;
	s0 =	simm.s32 $0x20;
	v14 =	vperm.xlane v14, v5  }
.LBB2_5:
0xc4: {  	p0 =	sne.s32 s24, $0x9DC0;
	v15 =	vld [tilespmem:s0+$0xE000];
	v11 =	vmul.f32 v11, v0;
	v12 =	vmul.f32 v12, v1;
	v10 =	vadd.f32 v13, v10;
	_ =	sdelay $0x1  }
0xc5: {  	v11 =	vadd.f32 v12, v11;
	v12 =	vmul.f32 v14, v2;
	v10 =	vadd.f32 v10, v7;
	_ =	sdelay $0x1  }
0xc6: {  	v11 =	vadd.f32 v12, v11;
	v12 =	vmul.f32 v9, v3;
	[tilespmem:s23+$0x10780] =	vst v10;
	s23 =	smov.u32 s14;
	s14 =	smov.u32 s0  }
.Ltmp2:
0xc7: {  	v9 =	vperm.xlane v15, v6;
	v10 =	vld [tilespmem:s23+$0x10780];
	(pc) =	sbr.rel @p0 .LBB2_5-.Ltmp2, $4  }
0xc8: {  	v13 =	vadd.f32 v12, v11  }
0xc9: {  	v11 =	vperm.xlane v15, v4;
	v12 =	vperm.xlane v15, v8;
	v14 =	vmax.f32 v9, $1.000000000e+00;
	v16 =	vpop (erf)  }
0xca: {  	(erf) = vrcp.f32 v14;
	v13 =	vmul.f32 v13, v16  }
0xcb: {  	s0 =	sshra.s32 s24, $0x2;
	s24 =	sadd.s32 $0x40, s24;
	v14 =	vperm.xlane v15, v5  }
0xcc: {  	v15 =	vld [tilespmem:s0+$0xE000];
	v11 =	vmul.f32 v11, v0;
	v12 =	vmul.f32 v12, v1;
	v10 =	vadd.f32 v13, v10;
	_ =	sdelay $0x1  }
0xcd: {  	v54 =	vmul.f32 v14, v2;
	v11 =	vadd.f32 v12, v11;
	v10 =	vadd.f32 v10, v7;
	_ =	sdelay $0x1  }
0xce: {  	v9 =	vmul.f32 v9, v3;
	v11 =	vadd.f32 v54, v11;
	[tilespmem:s23+$0x10780] =	vst v10  }
0xcf: {  	v6 =	vperm.xlane v15, v6;
	v10 =	vld [tilespmem:s14+$0x10780]  }
0xd0: {  	v9 =	vadd.f32 v9, v11  }
0xd1: {  	v4 =	vperm.xlane v15, v4;
	v8 =	vperm.xlane v15, v8;
	v55 =	vmax.f32 v6, $1.000000000e+00;
	v56 =	vpop (erf)  }
0xd2: {  	(erf) = vrcp.f32 v55;
	v9 =	vmul.f32 v9, v56  }
0xd3: {  	v5 =	vperm.xlane v15, v5  }
0xd4: {  	v57 =	vmul.f32 v4, v0;
	v58 =	vmul.f32 v8, v1;
	v59 =	vadd.f32 v9, v10;
	_ =	sdelay $0x1  }
0xd5: {  	v60 =	vmul.f32 v5, v2;
	v0 =	vadd.f32 v58, v57;
	v61 =	vadd.f32 v59, v7;
	_ =	sdelay $0x1  }
0xd6: {  	v62 =	vmul.f32 v6, v3;
	v0 =	vadd.f32 v60, v0;
	[tilespmem:s14+$0x10780] =	vst v61  }
0xd7: {  	v2 =	vld [tilespmem:s0+$0x10780]  }
0xd8: {  	v0 =	vadd.f32 v62, v0  }
0xd9: {  	v63 =	vpop (erf)  }
0xda: {  	v0 =	vmul.f32 v0, v63;
	_ =	sdelay $0x1  }
0xdb: {  	v0 =	vadd.f32 v0, v2;
	_ =	sdelay $0x1  }
0xdc: {  	v0 =	vadd.f32 v0, v7;
	_ =	sdelay $0x1  }
0xdd: {  	[tilespmem:s0+$0x10780] =	vst v0  }
0xde: {  	[spmem:s10] =	stream.linear.scatter [tilespmem:s19], [sflag:$0x9], $0x2780, $0x38;
	[tilespmem:$0x17F00] =	vst v63  }
0xdf: {  	_ =	swait.ge [sflag:s15], $0x2780  }
0xe0: {  	[sflag:s15] =	ssyncset.done $0x0  }
0xe1: {  	[sflag:s15] =	ssyncadd.s32 $0xFFFFD880  }
0xe2: {  	s23 =	simm.s32 $0x0;
	[bflag:$0x0] =	sbarrier.arrive $0xFFFF  }
0xe3: {  	[tilespmem:s20], [sflag:$0x9] =	stream.linear.gather [hbm4b:s11+s23], $0x2780, $0x38;
	[tilespmem:$0x17F00] =	vst v63  }
0xe4: {  	_ =	swait.ge [sflag:s15], $0x2780  }
0xe5: {  	[sflag:s15] =	ssyncset.done $0x0  }
0xe6: {  	[sflag:s15] =	ssyncadd.s32 $0xFFFFD880  }
0xe7: {  	[spmem:s12] =	stream.linear.scatter [tilespmem:s20], [sflag:$0x9], $0x2780, $0x38;
	[tilespmem:$0x17F00] =	vst v63  }
0xe8: {  	_ =	swait.ge [sflag:s15], $0x2780  }
0xe9: {  	[sflag:s15] =	ssyncset.done $0x0  }
0xea: {  	[sflag:s15] =	ssyncadd.s32 $0xFFFFD880  }
0xeb: {  	[bflag:$0x0] =	sbarrier.arrive $0xFFFF  }
0xec: {  	[tilespmem:s22], [sflag:$0x1] =	stream.indirect.gather [spmem:s2], $0x10, s23, s21, $0xb8;
	[tilespmem:$0x17F00] =	vst v63  }
0xed: {  	s1 =	simm.s32 $0xA800  }
0xee: {  	[tilespmem:s1], [sflag:$0x2] =	stream.indirect.gather [spmem:s2], $0x10, s21, s21, $0xb8;
	[tilespmem:$0x17F00] =	vst v63  }
0xef: {  	s14 =	simm.s32 $0x100  }
0xf0: {  	[tilespmem:s25], [sflag:$0x3] =	stream.indirect.gather [spmem:s2], $0x10, s14, s21, $0xb8;
	[tilespmem:$0x17F00] =	vst v63  }
0xf1: {  	s17 =	simm.s32 $0x180;
	s1 =	simm.s32 $0xB800  }
0xf2: {  	[tilespmem:s1], [sflag:$0x4] =	stream.indirect.gather [spmem:s2], $0x10, s17, s21, $0xb8;
	[tilespmem:$0x17F00] =	vst v63  }
0xf3: {  	s24 =	simm.s32 $0x200  }
0xf4: {  	[tilespmem:s30], [sflag:$0x5] =	stream.indirect.gather [spmem:s2], $0x10, s24, s21, $0xb8;
	[tilespmem:$0x17F00] =	vst v63  }
0xf5: {  	s26 =	simm.s32 $0x280;
	s28 =	simm.s32 $0xC800  }
0xf6: {  	[tilespmem:s28], [sflag:$0x6] =	stream.indirect.gather [spmem:s2], $0x10, s26, s21, $0xb8;
	[tilespmem:$0x17F00] =	vst v63  }
0xf7: {  	s29 =	simm.s32 $0x300  }
0xf8: {  	[tilespmem:s16], [sflag:$0x7] =	stream.indirect.gather [spmem:s2], $0x10, s29, s21, $0xb8;
	[tilespmem:$0x17F00] =	vst v63  }
0xf9: {  	s31 =	simm.s32 $0x380  }
0xfa: {  	[tilespmem:s18], [sflag:$0x8] =	stream.indirect.gather [spmem:s2], $0x10, s31, s21, $0xb8;
	[tilespmem:$0x17F00] =	vst v63  }
.LBB2_7:
0xfb: {  	_ =	swait.ge [sflag:s5], $0x800  }
0xfc: {  	s14 =	sshra.s32 s23, $0x2;
	[sflag:s5] =	ssyncset.done $0x0  }
0xfd: {  	s0 =	sadd.s32 $0x5000, s14;
	[sflag:s5] =	ssyncadd.s32 $0xFFFFF800  }
0xfe: {  	[spmem:s3] =	stream.indirect.scatter.add.f32 [tilespmem:s22], [sflag:$0x9], $0x10, s0, s21, $0xb8;
	[tilespmem:$0x17F00] =	vst v63  }
0xff: {  	_ =	swait.ge [sflag:s15], $0x800  }
0x100: {  	p0 =	seq.s32 s23, $0x13000;
	[sflag:s15] =	ssyncset.done $0x0  }
0x101: {  	s0 =	simm.s32 @p0 $0x2;
	[sflag:s15] =	ssyncadd.s32 $0xFFFFF800  }
0x102: {  	s28 =	sshra.s32 @p0 s23, $0x2;
	_ =	swait.ge @p0 [sflag:s0], $0x800  }
0x103: {  	s29 =	simm.s32 @p0 $0x80;
	s1 =	simm.s32 @p0 $0xA800;
	[sflag:s0] =	ssyncset.done @p0 $0x0  }
0x104: {  	s31 =	simm.s32 @p0 $0x9;
	[sflag:s0] =	ssyncadd.s32 @p0 $0xFFFFF800;
	s0 =	sadd.s32 @p0 $0x5080, s28  }
0x105: {  	[spmem:s3] =	stream.indirect.scatter.add.f32 @p0 [tilespmem:s1], [sflag:$0x9], $0x10, s0, s29, $0xb8;
	[tilespmem:$0x17F00] =	vst v63  }
0x106: {  	_ =	swait.ge @p0 [sflag:s31], $0x800  }
0x107: {  	s24 =	sshra.s32 @!p0 s23, $0x2;
	s26 =	simm.s32 @!p0 $0x80;
	[sflag:s31] =	ssyncset.done @p0 $0x0  }
0x108: {  	s0 =	sadd.s32 @!p0 $0x400, s24;
	s1 =	simm.s32 @!p0 $0xA000;
	[sflag:s31] =	ssyncadd.s32 @p0 $0xFFFFF800  }
0x109: {  	[tilespmem:s1], [sflag:$0x1] =	stream.indirect.gather @!p0 [spmem:s2], $0x10, s0, s26, $0xb8;
	[tilespmem:$0x17F00] =	vst v63  }
0x10a: {  	s0 =	simm.s32 @!p0 $0x2  }
0x10b: {  	_ =	swait.ge @!p0 [sflag:s0], $0x800  }
0x10c: {  	[sflag:s0] =	ssyncset.done @!p0 $0x0  }
0x10d: {  	s1 =	simm.s32 @!p0 $0xA800;
	[sflag:s0] =	ssyncadd.s32 @!p0 $0xFFFFF800;
	s0 =	sadd.s32 @!p0 $0x5080, s24  }
0x10e: {  	[spmem:s3] =	stream.indirect.scatter.add.f32 @!p0 [tilespmem:s1], [sflag:$0x9], $0x10, s0, s26, $0xb8;
	[tilespmem:$0x17F00] =	vst v63  }
0x10f: {  	s0 =	simm.s32 @!p0 $0x9  }
0x110: {  	_ =	swait.ge @!p0 [sflag:s0], $0x800  }
0x111: {  	[sflag:s0] =	ssyncset.done @!p0 $0x0  }
0x112: {  	s17 =	sadd.s32 @!p0 $0x480, s24;
	[sflag:s0] =	ssyncadd.s32 @!p0 $0xFFFFF800  }
0x113: {  	[tilespmem:s1], [sflag:$0x2] =	stream.indirect.gather @!p0 [spmem:s2], $0x10, s17, s26, $0xb8;
	[tilespmem:$0x17F00] =	vst v63  }
0x114: {  	_ =	swait.ge [sflag:s6], $0x800  }
0x115: {  	[sflag:s6] =	ssyncset.done $0x0  }
0x116: {  	s17 =	sadd.s32 $0x5100, s14;
	[sflag:s6] =	ssyncadd.s32 $0xFFFFF800  }
0x117: {  	[spmem:s3] =	stream.indirect.scatter.add.f32 [tilespmem:s25], [sflag:$0x9], $0x10, s17, s21, $0xb8;
	[tilespmem:$0x17F00] =	vst v63  }
0x118: {  	_ =	swait.ge [sflag:s15], $0x800  }
0x119: {  	[sflag:s15] =	ssyncset.done $0x0  }
0x11a: {  	s1 =	simm.s32 @p0 $0x4;
	[sflag:s15] =	ssyncadd.s32 $0xFFFFF800  }
0x11b: {  	_ =	swait.ge @p0 [sflag:s1], $0x800  }
0x11c: {  	[sflag:s1] =	ssyncset.done @p0 $0x0  }
0x11d: {  	s17 =	simm.s32 @p0 $0xB800;
	[sflag:s1] =	ssyncadd.s32 @p0 $0xFFFFF800;
	s1 =	sadd.s32 @p0 $0x5180, s28  }
0x11e: {  	[spmem:s3] =	stream.indirect.scatter.add.f32 @p0 [tilespmem:s17], [sflag:$0x9], $0x10, s1, s29, $0xb8;
	[tilespmem:$0x17F00] =	vst v63  }
0x11f: {  	_ =	swait.ge @p0 [sflag:s31], $0x800  }
0x120: {  	[sflag:s31] =	ssyncset.done @p0 $0x0  }
0x121: {  	s1 =	sadd.s32 @!p0 $0x500, s24;
	s17 =	simm.s32 @!p0 $0xB000;
	[sflag:s31] =	ssyncadd.s32 @p0 $0xFFFFF800  }
0x122: {  	[tilespmem:s17], [sflag:$0x3] =	stream.indirect.gather @!p0 [spmem:s2], $0x10, s1, s26, $0xb8;
	[tilespmem:$0x17F00] =	vst v63  }
0x123: {  	s1 =	simm.s32 @!p0 $0x4  }
0x124: {  	_ =	swait.ge @!p0 [sflag:s1], $0x800  }
0x125: {  	[sflag:s1] =	ssyncset.done @!p0 $0x0  }
0x126: {  	s17 =	simm.s32 @!p0 $0xB800;
	[sflag:s1] =	ssyncadd.s32 @!p0 $0xFFFFF800;
	s1 =	sadd.s32 @!p0 $0x5180, s24  }
0x127: {  	[spmem:s3] =	stream.indirect.scatter.add.f32 @!p0 [tilespmem:s17], [sflag:$0x9], $0x10, s1, s26, $0xb8;
	[tilespmem:$0x17F00] =	vst v63  }
0x128: {  	_ =	swait.ge @!p0 [sflag:s0], $0x800  }
0x129: {  	[sflag:s0] =	ssyncset.done @!p0 $0x0  }
0x12a: {  	s1 =	sadd.s32 @!p0 $0x580, s24;
	[sflag:s0] =	ssyncadd.s32 @!p0 $0xFFFFF800  }
0x12b: {  	[tilespmem:s17], [sflag:$0x4] =	stream.indirect.gather @!p0 [spmem:s2], $0x10, s1, s26, $0xb8;
	[tilespmem:$0x17F00] =	vst v63  }
0x12c: {  	_ =	swait.ge [sflag:s7], $0x800  }
0x12d: {  	[sflag:s7] =	ssyncset.done $0x0  }
0x12e: {  	s17 =	sadd.s32 $0x5200, s14;
	[sflag:s7] =	ssyncadd.s32 $0xFFFFF800  }
0x12f: {  	[spmem:s3] =	stream.indirect.scatter.add.f32 [tilespmem:s30], [sflag:$0x9], $0x10, s17, s21, $0xb8;
	[tilespmem:$0x17F00] =	vst v63  }
0x130: {  	_ =	swait.ge [sflag:s15], $0x800  }
0x131: {  	[sflag:s15] =	ssyncset.done $0x0  }
0x132: {  	s1 =	simm.s32 @p0 $0x6;
	[sflag:s15] =	ssyncadd.s32 $0xFFFFF800  }
0x133: {  	_ =	swait.ge @p0 [sflag:s1], $0x800  }
0x134: {  	[sflag:s1] =	ssyncset.done @p0 $0x0  }
0x135: {  	s17 =	simm.s32 @p0 $0xC800;
	[sflag:s1] =	ssyncadd.s32 @p0 $0xFFFFF800;
	s1 =	sadd.s32 @p0 $0x5280, s28  }
0x136: {  	[spmem:s3] =	stream.indirect.scatter.add.f32 @p0 [tilespmem:s17], [sflag:$0x9], $0x10, s1, s29, $0xb8;
	[tilespmem:$0x17F00] =	vst v63  }
0x137: {  	_ =	swait.ge @p0 [sflag:s31], $0x800  }
0x138: {  	[sflag:s31] =	ssyncset.done @p0 $0x0  }
0x139: {  	s1 =	sadd.s32 @!p0 $0x600, s24;
	s17 =	simm.s32 @!p0 $0xC000;
	[sflag:s31] =	ssyncadd.s32 @p0 $0xFFFFF800  }
0x13a: {  	[tilespmem:s17], [sflag:$0x5] =	stream.indirect.gather @!p0 [spmem:s2], $0x10, s1, s26, $0xb8;
	[tilespmem:$0x17F00] =	vst v63  }
0x13b: {  	s1 =	simm.s32 @!p0 $0x6  }
0x13c: {  	_ =	swait.ge @!p0 [sflag:s1], $0x800  }
0x13d: {  	[sflag:s1] =	ssyncset.done @!p0 $0x0  }
0x13e: {  	s17 =	simm.s32 @!p0 $0xC800;
	[sflag:s1] =	ssyncadd.s32 @!p0 $0xFFFFF800;
	s1 =	sadd.s32 @!p0 $0x5280, s24  }
0x13f: {  	[spmem:s3] =	stream.indirect.scatter.add.f32 @!p0 [tilespmem:s17], [sflag:$0x9], $0x10, s1, s26, $0xb8;
	[tilespmem:$0x17F00] =	vst v63  }
0x140: {  	_ =	swait.ge @!p0 [sflag:s0], $0x800  }
0x141: {  	[sflag:s0] =	ssyncset.done @!p0 $0x0  }
0x142: {  	[sflag:s0] =	ssyncadd.s32 @!p0 $0xFFFFF800;
	s0 =	sadd.s32 @!p0 $0x680, s24  }
0x143: {  	[tilespmem:s17], [sflag:$0x6] =	stream.indirect.gather @!p0 [spmem:s2], $0x10, s0, s26, $0xb8;
	[tilespmem:$0x17F00] =	vst v63  }
0x144: {  	_ =	swait.ge [sflag:s8], $0x800  }
0x145: {  	[sflag:s8] =	ssyncset.done $0x0  }
.Ltmp3:
0x146: {  	s31 =	sadd.s32 $0x5300, s14;
	[sflag:s8] =	ssyncadd.s32 $0xFFFFF800;
	(pc) =	sbr.rel @p0 .LBB2_9-.Ltmp3, $4  }
0x147: {  	[spmem:s3] =	stream.indirect.scatter.add.f32 [tilespmem:s16], [sflag:$0x9], $0x10, s31, s21, $0xb8;
	[tilespmem:$0x17F00] =	vst v63  }
0x148: {  	_ =	swait.ge [sflag:s15], $0x800  }
0x149: {  	[sflag:s15] =	ssyncset.done $0x0  }
0x14a: {  	s0 =	sadd.s32 $0x5380, s14;
	[sflag:s15] =	ssyncadd.s32 $0xFFFFF800  }
0x14b: {  	s1 =	sadd.s32 $0x700, s14  }
0x14c: {  	[tilespmem:s16], [sflag:$0x7] =	stream.indirect.gather [spmem:s2], $0x10, s1, s21, $0xb8;
	[tilespmem:$0x17F00] =	vst v63  }
0x14d: {  	_ =	swait.ge [sflag:s9], $0x800  }
0x14e: {  	[sflag:s9] =	ssyncset.done $0x0  }
0x14f: {  	[sflag:s9] =	ssyncadd.s32 $0xFFFFF800  }
0x150: {  	[spmem:s3] =	stream.indirect.scatter.add.f32 [tilespmem:s18], [sflag:$0x9], $0x10, s0, s21, $0xb8;
	[tilespmem:$0x17F00] =	vst v63  }
.Ltmp4:
0x151: {  	_ = 	snop;
	(pc) =	sbr.rel .LBB2_7-.Ltmp4, $4  }
0x152: {  	_ =	swait.ge [sflag:s15], $0x800  }
0x153: {  	[sflag:s15] =	ssyncset.done $0x0  }
0x154: {  	s31 =	sadd.s32 $0x780, s14;
	s23 =	sadd.s32 $0x1000, s23;
	[sflag:s15] =	ssyncadd.s32 $0xFFFFF800  }
0x155: {  	[tilespmem:s18], [sflag:$0x8] =	stream.indirect.gather [spmem:s2], $0x10, s31, s21, $0xb8;
	[tilespmem:$0x17F00] =	vst v63  }
.LBB2_9:
0x156: {  	_ =	swait.ge [sflag:s9], $0x800  }
0x157: {  	[sflag:s9] =	ssyncset.done $0x0  }
0x158: {  	[sflag:s9] =	ssyncadd.s32 $0xFFFFF800  }
0x159: {  	[spmem:s3] =	stream.indirect.scatter.add.f32 [tilespmem:s18], [sflag:$0x9], $0x10, s0, s21, $0xb8;
	[tilespmem:$0x17F00] =	vst v63  }
0x15a: {  	_ =	swait.ge [sflag:s15], $0x800  }
0x15b: {  	[sflag:s15] =	ssyncset.done $0x0  }
0x15c: {  	[sflag:s15] =	ssyncadd.s32 $0xFFFFF800  }
0x15d: {  	[bflag:$0x0] =	sbarrier.arrive $0xFFFF  }
0x15e: {  	[tilespmem:s20], [sflag:$0x9] =	stream.linear.gather [spmem:s12], $0x2780, $0x38;
	[tilespmem:$0x17F00] =	vst v63  }
0x15f: {  	_ =	swait.ge [sflag:s15], $0x2780  }
0x160: {  	[sflag:s15] =	ssyncset.done $0x0  }
0x161: {  	[sflag:s15] =	ssyncadd.s32 $0xFFFFD880  }
0x162: {  	[tilespmem:s19], [sflag:$0x9] =	stream.linear.gather [spmem:s10], $0x2780, $0x38;
	[tilespmem:$0x17F00] =	vst v63  }
0x163: {  	_ =	swait.ge [sflag:s15], $0x2780  }
0x164: {  	[sflag:s15] =	ssyncset.done $0x0  }
0x165: {  	[sflag:s15] =	ssyncadd.s32 $0xFFFFD880  }
0x166: {  	s23 =	simm.s32 $0x0;
	v1 =	vld [tilespmem:$0x12FB0]  }
0x167: {  	v7 =	vld [tilespmem:s23+$0xE000]  }
0x168: {  	v2 =	vld [tilespmem:$0x12F80]  }
0x169: {  	v3 =	vld [tilespmem:$0x12F90]  }
0x16a: {  	v5 =	vld [tilespmem:$0x12FA0]  }
0x16b: {  	v0 =	vld [tilespmem:$0x12F00];
	v6 =	vand.u32 $0xF, v1  }
0x16c: {  	v1 =	vld [tilespmem:$0x12F10];
	v9 =	vperm.xlane v7, v6  }
0x16d: {  	v4 =	vand.u32 $0xF, v2  }
0x16e: {  	s14 =	simm.s32 $0x10;
	v2 =	vld [tilespmem:$0x12F20];
	v8 =	vand.u32 $0xF, v3;
	v10 =	vperm.xlane v7, v4;
	v11 =	vmax.f32 v9, $1.000000000e+00  }
0x16f: {  	v14 =	vld [tilespmem:s14+$0xE000];
	v5 =	vand.u32 $0xF, v5;
	v12 =	vperm.xlane v7, v8;
	(erf) = vrcp.f32 v11  }
0x170: {  	v3 =	vld [tilespmem:$0x12F30];
	v7 =	vperm.xlane v7, v5  }
0x171: {  	v10 =	vmul.f32 v10, v0;
	v11 =	vmul.f32 v12, v1;
	_ =	sdelay $0x1  }
0x172: {  	v7 =	vmul.f32 v7, v2;
	v10 =	vadd.f32 v11, v10;
	_ =	sdelay $0x1  }
0x173: {  	v7 =	vadd.f32 v7, v10;
	v10 =	vmul.f32 v9, v3;
	v9 =	vperm.xlane v14, v6;
	_ =	sdelay $0x1  }
0x174: {  	v13 =	vadd.f32 v10, v7;
	v10 =	vmax.f32 v9, $1.000000000e+00  }
0x175: {  	v15 =	vpop (erf);
	(erf) = vrcp.f32 v10;
	v10 =	vld [tilespmem:s23+$0x10780];
	_ =	sdelay $0x1  }
0x176: {  	v12 =	vperm.xlane v14, v8;
	v7 =	vld [tilespmem:$0x12F40]  }
0x177: {  	v11 =	vperm.xlane v14, v4;
	v13 =	vmul.f32 v13, v15  }
0x178: {  	s24 =	simm.s32 $0xC0;
	s0 =	simm.s32 $0x20;
	v14 =	vperm.xlane v14, v5  }
.LBB2_10:
0x179: {  	p0 =	sne.s32 s24, $0x9DC0;
	v15 =	vld [tilespmem:s0+$0xE000];
	v11 =	vmul.f32 v11, v0;
	v12 =	vmul.f32 v12, v1;
	v10 =	vadd.f32 v13, v10;
	_ =	sdelay $0x1  }
0x17a: {  	v11 =	vadd.f32 v12, v11;
	v12 =	vmul.f32 v14, v2;
	v10 =	vadd.f32 v10, v7;
	_ =	sdelay $0x1  }
0x17b: {  	v11 =	vadd.f32 v12, v11;
	v12 =	vmul.f32 v9, v3;
	[tilespmem:s23+$0x10780] =	vst v10;
	s23 =	smov.u32 s14;
	s14 =	smov.u32 s0  }
.Ltmp5:
0x17c: {  	v9 =	vperm.xlane v15, v6;
	v10 =	vld [tilespmem:s23+$0x10780];
	(pc) =	sbr.rel @p0 .LBB2_10-.Ltmp5, $4  }
0x17d: {  	v13 =	vadd.f32 v12, v11  }
0x17e: {  	v11 =	vperm.xlane v15, v4;
	v12 =	vperm.xlane v15, v8;
	v14 =	vmax.f32 v9, $1.000000000e+00;
	v16 =	vpop (erf)  }
0x17f: {  	(erf) = vrcp.f32 v14;
	v13 =	vmul.f32 v13, v16  }
0x180: {  	s0 =	sshra.s32 s24, $0x2;
	s24 =	sadd.s32 $0x40, s24;
	v14 =	vperm.xlane v15, v5  }
0x181: {  	v15 =	vld [tilespmem:s0+$0xE000];
	v11 =	vmul.f32 v11, v0;
	v12 =	vmul.f32 v12, v1;
	v10 =	vadd.f32 v13, v10;
	_ =	sdelay $0x1  }
0x182: {  	v54 =	vmul.f32 v14, v2;
	v11 =	vadd.f32 v12, v11;
	v10 =	vadd.f32 v10, v7;
	_ =	sdelay $0x1  }
0x183: {  	v9 =	vmul.f32 v9, v3;
	v11 =	vadd.f32 v54, v11;
	[tilespmem:s23+$0x10780] =	vst v10  }
0x184: {  	v6 =	vperm.xlane v15, v6;
	v10 =	vld [tilespmem:s14+$0x10780]  }
0x185: {  	v9 =	vadd.f32 v9, v11  }
0x186: {  	v4 =	vperm.xlane v15, v4;
	v8 =	vperm.xlane v15, v8;
	v55 =	vmax.f32 v6, $1.000000000e+00;
	v56 =	vpop (erf)  }
0x187: {  	(erf) = vrcp.f32 v55;
	v9 =	vmul.f32 v9, v56  }
0x188: {  	v5 =	vperm.xlane v15, v5  }
0x189: {  	v57 =	vmul.f32 v4, v0;
	v58 =	vmul.f32 v8, v1;
	v59 =	vadd.f32 v9, v10;
	_ =	sdelay $0x1  }
0x18a: {  	v60 =	vmul.f32 v5, v2;
	v0 =	vadd.f32 v58, v57;
	v61 =	vadd.f32 v59, v7;
	_ =	sdelay $0x1  }
0x18b: {  	v62 =	vmul.f32 v6, v3;
	v0 =	vadd.f32 v60, v0;
	[tilespmem:s14+$0x10780] =	vst v61  }
0x18c: {  	v2 =	vld [tilespmem:s0+$0x10780]  }
0x18d: {  	v0 =	vadd.f32 v62, v0  }
0x18e: {  	v63 =	vpop (erf)  }
0x18f: {  	v0 =	vmul.f32 v0, v63;
	_ =	sdelay $0x1  }
0x190: {  	v0 =	vadd.f32 v0, v2;
	_ =	sdelay $0x1  }
0x191: {  	v0 =	vadd.f32 v0, v7;
	_ =	sdelay $0x1  }
0x192: {  	s29 =	rddreg [dreg:$0xa];
	[tilespmem:s0+$0x10780] =	vst v0  }
0x193: {  	[hbm4b:s29+s4] =	stream.linear.scatter [tilespmem:s19], [sflag:$0x9], $0x2780, $0x38;
	[tilespmem:$0x17F00] =	vst v63  }
0x194: {  	_ =	swait.ge [sflag:s15], $0x2780  }
0x195: {  	s13 =	sadd.s32 $0x1, s13;
	s31 =	rddreg [dreg:$0xb]  }
0x196: {  	p0 =	sne.s32 s13, s31  }
.Ltmp6:
0x197: {  	_ = 	snop;
	(pc) =	sbr.rel @p0 .LBB2_1-.Ltmp6, $3  }
0x198: {  	_ =	sdelay $0x1  }
0x199: {  	[sflag:s15] =	ssyncset.done $0x0  }
0x19a: {  	[sflag:s15] =	ssyncadd.s32 $0xFFFFD880  }
0x19b: {  	_ =	sfence.sel $0x180000  }
0x19c: {  	[bflag:$0x0] =	sbarrier.arrive $0xFFFF  }
0x19d: {  	_ =	strace $0x90000047  }
0x19e: {  	s0 =	stileid.u32;
	[bflag:$0x2] =	sbarrier.arrive $0xFFFF  }
0x19f: {  	p0 =	sne.s32 s0, $0x0;
	s0 =	rddreg [dreg:$0x4]  }
0x1a0: {  	s0 =	sadd.s32 @!p0 $0x100000, s0  }
0x1a1: {  	[sflag:s0] =	ssyncadd.tile.s32 @!p0 $0x1;
	_ =	shalt  }
.Lfunc_end2:
_tile_overlayer_lowered:
.L_overlay_start_2:
0x1a2: {  	(tag) =	ssettag $0x2  }
0x1a3: {  	s0 =	rddreg [dreg:$0x0];
	s2 =	stileid.u32  }
0x1a4: {  	s1 =	rddreg [dreg:$0x1];
	p0 =	sne.s32 s2, $0x0  }
0x1a5: {  	s3 =	rddreg [dreg:$0x2];
	[bflag:$0x3] =	sbarrier.arrive $0xFFFF;
	s2 =	simm.s32 @!p0 $0x1C09  }
0x1a6: {  	[timem:s3], [sflag:s2] =	dma.local @!p0 [hbm:s0], s1  }
0x1a7: {  	s0 =	simm.s32 @!p0 $0x9  }
0x1a8: {  	_ =	swait.ge @!p0 [sflag:s0], s1  }
0x1a9: {  	s1 =	ssub.s32 @!p0 $0x0, s1;
	[sflag:s0] =	ssyncset.done @!p0 $0x0  }
0x1aa: {  	[sflag:s0] =	ssyncadd.s32 @!p0 s1  }
0x1ab: {  	[bflag:$0x3] =	sbarrier.arrive $0xFFFF  }
0x1ac: {  	_ =	shalt  }

</sc_bundles>
